<compile_context>
chip_gen: v7x
topology: tpu7x:2x2x1
jax: 0.10.2.dev20260603
libtpu: 0.0.44.dev20260713+nightly
codegen_flags: <defaults>
</compile_context>

<pallas_src>
import dataclasses
import functools

import jax
import jax.numpy as jnp
from jax import lax
from jax.experimental import pallas as pl
from jax.experimental.pallas import tpu as pltpu
from jax.experimental.pallas import tpu_sc as plsc

K_RATIO = 0.8

_NC = 2
_NS = 16
_NW = _NC * _NS


def _rank_body(kk, k2_ref, ks_ref, rank_ref, kept_ref):
    g, _ = k2_ref.shape
    ki = k2_ref[...]
    ipos = (lax.broadcasted_iota(jnp.int32, (g, 128), 0) * 128
            + lax.broadcasted_iota(jnp.int32, (g, 128), 1))
    lane = lax.broadcasted_iota(jnp.int32, (1, 128), 1)

    def chunk_body(c, acc):
        kadj = ki - (ipos >= (c + 1) * 128).astype(jnp.int32)
        cbase = c * 128

        def jbody(jl, a):
            kj = ks_ref[cbase + jl]
            return a + (kadj < kj).astype(jnp.int32)

        return lax.fori_loop(0, 128, jbody, acc, unroll=8)

    acc = lax.fori_loop(0, g, chunk_body, jnp.zeros((g, 128), jnp.int32))
    rank_ref[...] = acc

    def tie_chunk(c, _):
        row_k = k2_ref[pl.ds(c, 1), :]

        def jb(jl, arow):
            kjs = ks_ref[c * 128 + jl]
            return arow + ((row_k == kjs) & (lane > jl)).astype(jnp.int32)

        arow = lax.fori_loop(0, 128, jb, rank_ref[pl.ds(c, 1), :], unroll=8)
        rank_ref[pl.ds(c, 1), :] = arow
        return 0

    lax.fori_loop(0, g, tie_chunk, 0)
    kept_ref[...] = (rank_ref[...] < kk).astype(jnp.float32)


def _tc_rank(k2d, ks, kk):
    g = k2d.shape[0]
    return pl.pallas_call(
        functools.partial(_rank_body, kk),
        out_shape=[
            jax.ShapeDtypeStruct((g, 128), jnp.int32),
            jax.ShapeDtypeStruct((g, 128), jnp.float32),
        ],
        in_specs=[
            pl.BlockSpec(memory_space=pltpu.VMEM),
            pl.BlockSpec(memory_space=pltpu.SMEM),
        ],
    )(k2d, ks)


@functools.lru_cache(maxsize=None)
def _make_sc(n, npad, dfeat, e):
    rows_w = npad // _NW
    epw = e // _NW
    mesh = plsc.VectorSubcoreMesh(core_axis_name="c", subcore_axis_name="s")

    cp = pltpu.CompilerParams()
    if "needs_layout_passes" in pltpu.CompilerParams.__dataclass_fields__:
        cp = dataclasses.replace(cp, needs_layout_passes=False)
    if "use_tc_tiling_on_sc" in pltpu.CompilerParams.__dataclass_fields__:
        cp = dataclasses.replace(cp, use_tc_tiling_on_sc=True)

    @functools.partial(
        pl.kernel,
        out_type=[
            jax.ShapeDtypeStruct((n, dfeat), jnp.float32),
            jax.ShapeDtypeStruct((n, 128), jnp.float32),
            jax.ShapeDtypeStruct((e,), jnp.float32),
        ],
        mesh=mesh,
        scratch_types=[
            pltpu.VMEM((rows_w,), jnp.int32),
            pltpu.VMEM((rows_w, 128), jnp.float32),
            pltpu.VMEM((npad,), jnp.float32),
            pltpu.VMEM((epw,), jnp.int32),
            pltpu.VMEM((epw,), jnp.int32),
            pltpu.VMEM((epw,), jnp.float32),
            pltpu.SemaphoreType.DMA,
        ],
        compiler_params=cp,
    )
    def sc_kernel(hp_hbm, cs_hbm, rank_hbm, kept_hbm, src_hbm, dst_hbm,
                  outh_hbm, outcs_hbm, emask_hbm,
                  rank_v, h_v, kept_v, si_v, di_v, em_v, sem):
        wid = lax.axis_index("s") * _NC + lax.axis_index("c")
        base = jnp.minimum(wid * rows_w, n - rows_w)

        pltpu.sync_copy(rank_hbm.at[pl.ds(base, rows_w)], rank_v)
        pltpu.sync_copy(hp_hbm.at[pl.ds(base, rows_w)], h_v)
        off = 0
        while off < rows_w:
            sz = min(128, rows_w - off)
            idx = rank_v.at[pl.ds(off, sz)]
            pltpu.sync_copy(h_v.at[pl.ds(off, sz)], outh_hbm.at[idx])
            off += sz
        pltpu.sync_copy(cs_hbm.at[pl.ds(base, rows_w)], h_v)
        off = 0
        while off < rows_w:
            sz = min(128, rows_w - off)
            idx = rank_v.at[pl.ds(off, sz)]
            pltpu.sync_copy(h_v.at[pl.ds(off, sz)], outcs_hbm.at[idx])
            off += sz

        ebase = wid * epw
        pltpu.sync_copy(kept_hbm, kept_v)
        pltpu.sync_copy(src_hbm.at[pl.ds(ebase, epw)], si_v)
        pltpu.sync_copy(dst_hbm.at[pl.ds(ebase, epw)], di_v)

        @pl.loop(0, epw, step=16)
        def _(c):
            si = si_v[pl.ds(c, 16)]
            di = di_v[pl.ds(c, 16)]
            m = plsc.load_gather(kept_v, [si]) * plsc.load_gather(kept_v, [di])
            em_v[pl.ds(c, 16)] = m

        pltpu.sync_copy(em_v, emask_hbm.at[pl.ds(ebase, epw)])

    return sc_kernel


def _mul_body(x_ref, m_ref, o_ref):
    o_ref[...] = x_ref[...] * m_ref[...]


def _emask_body(x_ref, m_ref, o_ref):
    sel = (lax.broadcasted_iota(jnp.int32, (8, 128), 0)
           == lax.broadcasted_iota(jnp.int32, (8, 128), 1) // 16)
    m_exp = jnp.dot(m_ref[...].astype(jnp.bfloat16),
                    sel.astype(jnp.bfloat16),
                    preferred_element_type=jnp.float32)
    o_ref[...] = x_ref[...] * m_exp


def _cs_body(c_ref, s_ref, o_ref):
    nn = c_ref.shape[0]
    o_ref[...] = jnp.concatenate(
        [c_ref[...], s_ref[...], jnp.zeros((nn, 124), jnp.float32)], axis=1)


def _build_cs(coords, s_col):
    nn = coords.shape[0]
    return pl.pallas_call(
        _cs_body,
        out_shape=jax.ShapeDtypeStruct((nn, 128), jnp.float32),
    )(coords, s_col)


def _emask_scale(x_r, m_r, blocks):
    nr, d = x_r.shape
    bs = nr // blocks
    return pl.pallas_call(
        _emask_body,
        out_shape=jax.ShapeDtypeStruct((nr, d), jnp.float32),
        grid=(blocks,),
        in_specs=[
            pl.BlockSpec((bs, d), lambda i: (i, 0)),
            pl.BlockSpec((bs, 8), lambda i: (i, 0)),
        ],
        out_specs=pl.BlockSpec((bs, d), lambda i: (i, 0)),
    )(x_r, m_r)


def _row_scale(x, m, kk, blocks):
    d = x.shape[1]
    bs = kk // blocks
    return pl.pallas_call(
        _mul_body,
        out_shape=jax.ShapeDtypeStruct((kk, d), x.dtype),
        grid=(blocks,),
        in_specs=[
            pl.BlockSpec((bs, d), lambda i: (i, 0)),
            pl.BlockSpec((bs, 1), lambda i: (i, 0)),
        ],
        out_specs=pl.BlockSpec((bs, d), lambda i: (i, 0)),
    )(x, m)


def kernel(h, coords, edge_index, efeats, W_proj, b_proj):
    n, dfeat = h.shape
    e = efeats.shape[0]
    kk = max(2, int(K_RATIO * n))
    npad = ((n + 1023) // 1024) * 1024

    scores = jax.nn.sigmoid((h @ W_proj + b_proj).squeeze(-1))
    ks = lax.bitcast_convert_type(jnp.pad(scores, (0, npad - n)), jnp.int32)

    rank2d, kept2d = _tc_rank(ks.reshape(npad // 128, 128), ks, kk)
    rank_flat = rank2d.reshape(npad)
    kept_flat = kept2d.reshape(npad)

    cs = _build_cs(coords, scores[:, None])

    src = edge_index[0]
    dst = edge_index[1]
    outh, outcs, emask = _make_sc(n, npad, dfeat, e)(
        h, cs, rank_flat, kept_flat, src, dst)

    new_h = _row_scale(outh, outcs[:kk, 3:4], kk, 8)
    new_coords = outcs[:kk, :3]
    de = efeats.shape[1]
    per_row = 128 // de
    new_efeats = _emask_scale(
        efeats.reshape(e // per_row, 128),
        emask.reshape(e // per_row, per_row), 20).reshape(e, de)
    return (new_h, new_coords, new_efeats)

# --- scband reference (transcript-rebuilt; emitter-appended) ---
"""Pipeline reference for scband-u-gcn-egnn-23055384445177 (READ-ONLY COPY).

The authoritative reference and input builder live on the scoring server;
editing this copy changes nothing except your own understanding.
"""

import jax, jax.numpy as jnp
import numpy as np

K_RATIO = 0.8  # args['ks'][1], the top-k pooling ratio used by Pool
N_NODES = 10000
N_EDGES = 320000
D_FEAT = 128
D_EDGE = 16


def setup_inputs(seed: int = 0) -> dict:
    key = jax.random.key(seed)
    k1, k2, k3, k4, k5 = jax.random.split(key, 5)
    h = jax.random.normal(k1, (N_NODES, D_FEAT), dtype=jnp.float32)
    coords = jax.random.normal(k2, (N_NODES, 3), dtype=jnp.float32)
    edge_index = jax.random.randint(k3, (2, N_EDGES), 0, N_NODES, dtype=jnp.int32)
    efeats = jax.random.normal(k4, (N_EDGES, D_EDGE), dtype=jnp.float32)
    # learned params of Pool.proj = nn.Linear(in_dim, 1)
    stdv = 1.0 / np.sqrt(D_FEAT)
    W_proj = jax.random.uniform(k5, (D_FEAT, 1), dtype=jnp.float32, minval=-stdv, maxval=stdv)
    b_proj = jnp.zeros((1,), dtype=jnp.float32)
    return {"h": h, "coords": coords, "edge_index": edge_index, "efeats": efeats,
            "W_proj": W_proj, "b_proj": b_proj}


def reference(h, coords, edge_index, efeats, W_proj, b_proj):
    # Pool.forward: Z = drop(h) (identity, p=0); weights = proj(Z).squeeze(); scores = sigmoid(weights)
    weights = (h @ W_proj + b_proj).squeeze(-1)          # [N]
    scores = jax.nn.sigmoid(weights)                      # [N]
    n = h.shape[0]
    kk = max(2, int(K_RATIO * n))                         # = 8000
    # top_k_dgl_graph: values, idx = torch.topk(scores, kk)
    values, idx = jax.lax.top_k(scores, kk)               # [kk], [kk]
    new_h = jnp.take(h, idx, axis=0) * values[:, None]    # gated gather
    new_coords = jnp.take(coords, idx, axis=0)
    # dgl.node_subgraph edge selection: keep edges with both endpoints in idx.
    # Represented as a static-shape mask over edge features (compaction -> masking).
    node_mask = jnp.zeros((n,), dtype=bool).at[idx].set(True)
    emask = node_mask[edge_index[0]] & node_mask[edge_index[1]]  # [E]
    new_efeats = efeats * emask[:, None].astype(efeats.dtype)    # [E, d_edge]
    return (new_h, new_coords, new_efeats)

if __name__ == "__main__":
    import jax
    _d = setup_inputs()
    print(jax.jit(kernel)(*tuple(_d.values())))

</pallas_src>

<mosaic_0001>
#map = affine_map<(d0, d1) -> (0, 0)>
#map1 = affine_map<(d0, d1) -> (0)>
module attributes {stable_mosaic.version = 14 : i64} {
  func.func @sc_kernel(%arg0: i32, %arg1: i32, %arg2: memref<10000x128xf32, #tpu.memory_space<hbm>>, %arg3: memref<10000x128xf32, #tpu.memory_space<hbm>>, %arg4: memref<10240xi32, #tpu.memory_space<hbm>>, %arg5: memref<10240xf32, #tpu.memory_space<hbm>>, %arg6: memref<320000xi32, #tpu.memory_space<hbm>>, %arg7: memref<320000xi32, #tpu.memory_space<hbm>>, %arg8: memref<10000x128xf32, #tpu.memory_space<hbm>>, %arg9: memref<10000x128xf32, #tpu.memory_space<hbm>>, %arg10: memref<320000xf32, #tpu.memory_space<hbm>>, %arg11: memref<320xi32, #tpu.memory_space<vmem>>, %arg12: memref<320x128xf32, #tpu.memory_space<vmem>>, %arg13: memref<10240xf32, #tpu.memory_space<vmem>>, %arg14: memref<10000xi32, #tpu.memory_space<vmem>>, %arg15: memref<10000xi32, #tpu.memory_space<vmem>>, %arg16: memref<10000xf32, #tpu.memory_space<vmem>>, %arg17: memref<!tpu.dma_semaphore, #tpu.memory_space<semaphore_mem>>) attributes {dimension_semantics = [#tpu.dimension_semantics<core_parallel>, #tpu.dimension_semantics<subcore_parallel>], iteration_bounds = array<i64: 2, 16>, scalar_prefetch = 0 : i64, scratch_operands = 7 : i64, tpu.core_type = #tpu.core_type<sc_vector_subcore>, window_params = [{transform_indices = #map}, {transform_indices = #map}, {transform_indices = #map1}, {transform_indices = #map1}, {transform_indices = #map1}, {transform_indices = #map1}, {transform_indices = #map}, {transform_indices = #map}, {transform_indices = #map1}]} {
    %mul3A = arith.constant 2 : i32
    %mul3A_0 = arith.muli %arg1, %mul3A : i32
    %add3A = arith.addi %mul3A_0, %arg0 : i32
    %mul3A_1 = arith.constant 320 : i32
    %mul3A_2 = arith.muli %add3A, %mul3A_1 : i32
    %min3A = arith.constant 9680 : i32
    %min3A_3 = arith.minsi %mul3A_2, %min3A : i32
    "tpu.region"() ({
      %run_scoped3A = tpu.sem_alloc : memref<!tpu.dma_semaphore, #tpu.memory_space<semaphore_mem>>
      %dma_start3A = tpu.memref_slice %arg4[%min3A_3] : memref<10240xi32, #tpu.memory_space<hbm>> -> memref<320xi32, #tpu.memory_space<hbm>>
      %dma_start3A_10 = tpu.memref_slice %arg4[%min3A_3] : memref<10240xi32, #tpu.memory_space<hbm>> -> memref<320xi32, #tpu.memory_space<hbm>>
      tpu.enqueue_dma source(%dma_start3A_10 : memref<320xi32, #tpu.memory_space<hbm>>) target(%arg11 : memref<320xi32, #tpu.memory_space<vmem>>) target_semaphore(%run_scoped3A : memref<!tpu.dma_semaphore, #tpu.memory_space<semaphore_mem>>)
      %dma_wait3A = tpu.memref_slice %arg4[%min3A_3] : memref<10240xi32, #tpu.memory_space<hbm>> -> memref<320xi32, #tpu.memory_space<hbm>>
      %dma_wait3A_11 = tpu.memref_slice %arg4[%min3A_3] : memref<10240xi32, #tpu.memory_space<hbm>> -> memref<320xi32, #tpu.memory_space<hbm>>
      tpu.wait_dma2 semaphore(%run_scoped3A : memref<!tpu.dma_semaphore, #tpu.memory_space<semaphore_mem>>) src(%dma_wait3A_11 : memref<320xi32, #tpu.memory_space<hbm>>) dst(%arg11 : memref<320xi32, #tpu.memory_space<vmem>>)
      tpu.yield
    }) : () -> ()
    "tpu.region"() ({
      %run_scoped3A = tpu.sem_alloc : memref<!tpu.dma_semaphore, #tpu.memory_space<semaphore_mem>>
      %dma_start3A = arith.constant 0 : i32
      %dma_start3A_10 = tpu.memref_slice %arg2[%min3A_3, %dma_start3A] : memref<10000x128xf32, #tpu.memory_space<hbm>> -> memref<320x128xf32, #tpu.memory_space<hbm>>
      %dma_start3A_11 = arith.constant 0 : i32
      %dma_start3A_12 = tpu.memref_slice %arg2[%min3A_3, %dma_start3A_11] : memref<10000x128xf32, #tpu.memory_space<hbm>> -> memref<320x128xf32, #tpu.memory_space<hbm>>
      tpu.enqueue_dma source(%dma_start3A_12 : memref<320x128xf32, #tpu.memory_space<hbm>>) target(%arg12 : memref<320x128xf32, #tpu.memory_space<vmem>>) target_semaphore(%run_scoped3A : memref<!tpu.dma_semaphore, #tpu.memory_space<semaphore_mem>>)
      %dma_wait3A = arith.constant 0 : i32
      %dma_wait3A_13 = tpu.memref_slice %arg2[%min3A_3, %dma_wait3A] : memref<10000x128xf32, #tpu.memory_space<hbm>> -> memref<320x128xf32, #tpu.memory_space<hbm>>
      %dma_wait3A_14 = arith.constant 0 : i32
      %dma_wait3A_15 = tpu.memref_slice %arg2[%min3A_3, %dma_wait3A_14] : memref<10000x128xf32, #tpu.memory_space<hbm>> -> memref<320x128xf32, #tpu.memory_space<hbm>>
      tpu.wait_dma2 semaphore(%run_scoped3A : memref<!tpu.dma_semaphore, #tpu.memory_space<semaphore_mem>>) src(%dma_wait3A_15 : memref<320x128xf32, #tpu.memory_space<hbm>>) dst(%arg12 : memref<320x128xf32, #tpu.memory_space<vmem>>)
      tpu.yield
    }) : () -> ()
    "tpu.region"() ({
      %run_scoped3A = tpu.sem_alloc : memref<!tpu.dma_semaphore, #tpu.memory_space<semaphore_mem>>
      %dma_start3A = arith.constant 0 : i32
      %dma_start3A_10 = arith.constant 0 : i32
      %dma_start3A_11 = tpu.memref_slice %arg12[%dma_start3A, %dma_start3A_10] : memref<320x128xf32, #tpu.memory_space<vmem>> -> memref<128x128xf32, #tpu.memory_space<vmem>>
      %dma_start3A_12 = arith.constant 0 : i32
      %dma_start3A_13 = tpu.memref_slice %arg11[%dma_start3A_12] : memref<320xi32, #tpu.memory_space<vmem>> -> memref<128xi32, #tpu.memory_space<vmem>>
      %dma_start3A_14 = arith.constant 0 : i32
      %dma_start3A_15 = arith.constant 0 : i32
      %dma_start3A_16 = tpu.memref_slice %arg8[%dma_start3A_14, %dma_start3A_15] : memref<10000x128xf32, #tpu.memory_space<hbm>> -> memref<10000x128xf32, #tpu.memory_space<hbm>>
      tpu.enqueue_indirect_dma source(%dma_start3A_11 : memref<128x128xf32, #tpu.memory_space<vmem>>) target(%dma_start3A_16 : memref<10000x128xf32, #tpu.memory_space<hbm>>) offsets(%dma_start3A_13 : memref<128xi32, #tpu.memory_space<vmem>>) semaphore(%run_scoped3A : memref<!tpu.dma_semaphore, #tpu.memory_space<semaphore_mem>>)
      %dma_wait3A = arith.constant 0 : i32
      %dma_wait3A_17 = arith.constant 0 : i32
      %dma_wait3A_18 = tpu.memref_slice %arg12[%dma_wait3A, %dma_wait3A_17] : memref<320x128xf32, #tpu.memory_space<vmem>> -> memref<128x128xf32, #tpu.memory_space<vmem>>
      %dma_wait3A_19 = arith.constant 0 : i32
      %dma_wait3A_20 = tpu.memref_slice %arg11[%dma_wait3A_19] : memref<320xi32, #tpu.memory_space<vmem>> -> memref<128xi32, #tpu.memory_space<vmem>>
      %dma_wait3A_21 = arith.constant 0 : i32
      %dma_wait3A_22 = arith.constant 0 : i32
      %dma_wait3A_23 = tpu.memref_slice %arg8[%dma_wait3A_21, %dma_wait3A_22] : memref<10000x128xf32, #tpu.memory_space<hbm>> -> memref<10000x128xf32, #tpu.memory_space<hbm>>
      tpu.wait_indirect_dma semaphore(%run_scoped3A : memref<!tpu.dma_semaphore, #tpu.memory_space<semaphore_mem>>) src(%dma_wait3A_18 : memref<128x128xf32, #tpu.memory_space<vmem>>) dst(%dma_wait3A_23 : memref<10000x128xf32, #tpu.memory_space<hbm>>)
      tpu.yield
    }) : () -> ()
    "tpu.region"() ({
      %run_scoped3A = tpu.sem_alloc : memref<!tpu.dma_semaphore, #tpu.memory_space<semaphore_mem>>
      %dma_start3A = arith.constant 128 : i32
      %dma_start3A_10 = arith.constant 0 : i32
      %dma_start3A_11 = tpu.memref_slice %arg12[%dma_start3A, %dma_start3A_10] : memref<320x128xf32, #tpu.memory_space<vmem>> -> memref<128x128xf32, #tpu.memory_space<vmem>>
      %dma_start3A_12 = arith.constant 128 : i32
      %dma_start3A_13 = tpu.memref_slice %arg11[%dma_start3A_12] : memref<320xi32, #tpu.memory_space<vmem>> -> memref<128xi32, #tpu.memory_space<vmem>>
      %dma_start3A_14 = arith.constant 0 : i32
      %dma_start3A_15 = arith.constant 0 : i32
      %dma_start3A_16 = tpu.memref_slice %arg8[%dma_start3A_14, %dma_start3A_15] : memref<10000x128xf32, #tpu.memory_space<hbm>> -> memref<10000x128xf32, #tpu.memory_space<hbm>>
      tpu.enqueue_indirect_dma source(%dma_start3A_11 : memref<128x128xf32, #tpu.memory_space<vmem>>) target(%dma_start3A_16 : memref<10000x128xf32, #tpu.memory_space<hbm>>) offsets(%dma_start3A_13 : memref<128xi32, #tpu.memory_space<vmem>>) semaphore(%run_scoped3A : memref<!tpu.dma_semaphore, #tpu.memory_space<semaphore_mem>>)
      %dma_wait3A = arith.constant 128 : i32
      %dma_wait3A_17 = arith.constant 0 : i32
      %dma_wait3A_18 = tpu.memref_slice %arg12[%dma_wait3A, %dma_wait3A_17] : memref<320x128xf32, #tpu.memory_space<vmem>> -> memref<128x128xf32, #tpu.memory_space<vmem>>
      %dma_wait3A_19 = arith.constant 128 : i32
      %dma_wait3A_20 = tpu.memref_slice %arg11[%dma_wait3A_19] : memref<320xi32, #tpu.memory_space<vmem>> -> memref<128xi32, #tpu.memory_space<vmem>>
      %dma_wait3A_21 = arith.constant 0 : i32
      %dma_wait3A_22 = arith.constant 0 : i32
      %dma_wait3A_23 = tpu.memref_slice %arg8[%dma_wait3A_21, %dma_wait3A_22] : memref<10000x128xf32, #tpu.memory_space<hbm>> -> memref<10000x128xf32, #tpu.memory_space<hbm>>
      tpu.wait_indirect_dma semaphore(%run_scoped3A : memref<!tpu.dma_semaphore, #tpu.memory_space<semaphore_mem>>) src(%dma_wait3A_18 : memref<128x128xf32, #tpu.memory_space<vmem>>) dst(%dma_wait3A_23 : memref<10000x128xf32, #tpu.memory_space<hbm>>)
      tpu.yield
    }) : () -> ()
    "tpu.region"() ({
      %run_scoped3A = tpu.sem_alloc : memref<!tpu.dma_semaphore, #tpu.memory_space<semaphore_mem>>
      %dma_start3A = arith.constant 256 : i32
      %dma_start3A_10 = arith.constant 0 : i32
      %dma_start3A_11 = tpu.memref_slice %arg12[%dma_start3A, %dma_start3A_10] : memref<320x128xf32, #tpu.memory_space<vmem>> -> memref<64x128xf32, #tpu.memory_space<vmem>>
      %dma_start3A_12 = arith.constant 256 : i32
      %dma_start3A_13 = tpu.memref_slice %arg11[%dma_start3A_12] : memref<320xi32, #tpu.memory_space<vmem>> -> memref<64xi32, #tpu.memory_space<vmem>>
      %dma_start3A_14 = arith.constant 0 : i32
      %dma_start3A_15 = arith.constant 0 : i32
      %dma_start3A_16 = tpu.memref_slice %arg8[%dma_start3A_14, %dma_start3A_15] : memref<10000x128xf32, #tpu.memory_space<hbm>> -> memref<10000x128xf32, #tpu.memory_space<hbm>>
      tpu.enqueue_indirect_dma source(%dma_start3A_11 : memref<64x128xf32, #tpu.memory_space<vmem>>) target(%dma_start3A_16 : memref<10000x128xf32, #tpu.memory_space<hbm>>) offsets(%dma_start3A_13 : memref<64xi32, #tpu.memory_space<vmem>>) semaphore(%run_scoped3A : memref<!tpu.dma_semaphore, #tpu.memory_space<semaphore_mem>>)
      %dma_wait3A = arith.constant 256 : i32
      %dma_wait3A_17 = arith.constant 0 : i32
      %dma_wait3A_18 = tpu.memref_slice %arg12[%dma_wait3A, %dma_wait3A_17] : memref<320x128xf32, #tpu.memory_space<vmem>> -> memref<64x128xf32, #tpu.memory_space<vmem>>
      %dma_wait3A_19 = arith.constant 256 : i32
      %dma_wait3A_20 = tpu.memref_slice %arg11[%dma_wait3A_19] : memref<320xi32, #tpu.memory_space<vmem>> -> memref<64xi32, #tpu.memory_space<vmem>>
      %dma_wait3A_21 = arith.constant 0 : i32
      %dma_wait3A_22 = arith.constant 0 : i32
      %dma_wait3A_23 = tpu.memref_slice %arg8[%dma_wait3A_21, %dma_wait3A_22] : memref<10000x128xf32, #tpu.memory_space<hbm>> -> memref<10000x128xf32, #tpu.memory_space<hbm>>
      tpu.wait_indirect_dma semaphore(%run_scoped3A : memref<!tpu.dma_semaphore, #tpu.memory_space<semaphore_mem>>) src(%dma_wait3A_18 : memref<64x128xf32, #tpu.memory_space<vmem>>) dst(%dma_wait3A_23 : memref<10000x128xf32, #tpu.memory_space<hbm>>)
      tpu.yield
    }) : () -> ()
    "tpu.region"() ({
      %run_scoped3A = tpu.sem_alloc : memref<!tpu.dma_semaphore, #tpu.memory_space<semaphore_mem>>
      %dma_start3A = arith.constant 0 : i32
      %dma_start3A_10 = tpu.memref_slice %arg3[%min3A_3, %dma_start3A] : memref<10000x128xf32, #tpu.memory_space<hbm>> -> memref<320x128xf32, #tpu.memory_space<hbm>>
      %dma_start3A_11 = arith.constant 0 : i32
      %dma_start3A_12 = tpu.memref_slice %arg3[%min3A_3, %dma_start3A_11] : memref<10000x128xf32, #tpu.memory_space<hbm>> -> memref<320x128xf32, #tpu.memory_space<hbm>>
      tpu.enqueue_dma source(%dma_start3A_12 : memref<320x128xf32, #tpu.memory_space<hbm>>) target(%arg12 : memref<320x128xf32, #tpu.memory_space<vmem>>) target_semaphore(%run_scoped3A : memref<!tpu.dma_semaphore, #tpu.memory_space<semaphore_mem>>)
      %dma_wait3A = arith.constant 0 : i32
      %dma_wait3A_13 = tpu.memref_slice %arg3[%min3A_3, %dma_wait3A] : memref<10000x128xf32, #tpu.memory_space<hbm>> -> memref<320x128xf32, #tpu.memory_space<hbm>>
      %dma_wait3A_14 = arith.constant 0 : i32
      %dma_wait3A_15 = tpu.memref_slice %arg3[%min3A_3, %dma_wait3A_14] : memref<10000x128xf32, #tpu.memory_space<hbm>> -> memref<320x128xf32, #tpu.memory_space<hbm>>
      tpu.wait_dma2 semaphore(%run_scoped3A : memref<!tpu.dma_semaphore, #tpu.memory_space<semaphore_mem>>) src(%dma_wait3A_15 : memref<320x128xf32, #tpu.memory_space<hbm>>) dst(%arg12 : memref<320x128xf32, #tpu.memory_space<vmem>>)
      tpu.yield
    }) : () -> ()
    "tpu.region"() ({
      %run_scoped3A = tpu.sem_alloc : memref<!tpu.dma_semaphore, #tpu.memory_space<semaphore_mem>>
      %dma_start3A = arith.constant 0 : i32
      %dma_start3A_10 = arith.constant 0 : i32
      %dma_start3A_11 = tpu.memref_slice %arg12[%dma_start3A, %dma_start3A_10] : memref<320x128xf32, #tpu.memory_space<vmem>> -> memref<128x128xf32, #tpu.memory_space<vmem>>
      %dma_start3A_12 = arith.constant 0 : i32
      %dma_start3A_13 = tpu.memref_slice %arg11[%dma_start3A_12] : memref<320xi32, #tpu.memory_space<vmem>> -> memref<128xi32, #tpu.memory_space<vmem>>
      %dma_start3A_14 = arith.constant 0 : i32
      %dma_start3A_15 = arith.constant 0 : i32
      %dma_start3A_16 = tpu.memref_slice %arg9[%dma_start3A_14, %dma_start3A_15] : memref<10000x128xf32, #tpu.memory_space<hbm>> -> memref<10000x128xf32, #tpu.memory_space<hbm>>
      tpu.enqueue_indirect_dma source(%dma_start3A_11 : memref<128x128xf32, #tpu.memory_space<vmem>>) target(%dma_start3A_16 : memref<10000x128xf32, #tpu.memory_space<hbm>>) offsets(%dma_start3A_13 : memref<128xi32, #tpu.memory_space<vmem>>) semaphore(%run_scoped3A : memref<!tpu.dma_semaphore, #tpu.memory_space<semaphore_mem>>)
      %dma_wait3A = arith.constant 0 : i32
      %dma_wait3A_17 = arith.constant 0 : i32
      %dma_wait3A_18 = tpu.memref_slice %arg12[%dma_wait3A, %dma_wait3A_17] : memref<320x128xf32, #tpu.memory_space<vmem>> -> memref<128x128xf32, #tpu.memory_space<vmem>>
      %dma_wait3A_19 = arith.constant 0 : i32
      %dma_wait3A_20 = tpu.memref_slice %arg11[%dma_wait3A_19] : memref<320xi32, #tpu.memory_space<vmem>> -> memref<128xi32, #tpu.memory_space<vmem>>
      %dma_wait3A_21 = arith.constant 0 : i32
      %dma_wait3A_22 = arith.constant 0 : i32
      %dma_wait3A_23 = tpu.memref_slice %arg9[%dma_wait3A_21, %dma_wait3A_22] : memref<10000x128xf32, #tpu.memory_space<hbm>> -> memref<10000x128xf32, #tpu.memory_space<hbm>>
      tpu.wait_indirect_dma semaphore(%run_scoped3A : memref<!tpu.dma_semaphore, #tpu.memory_space<semaphore_mem>>) src(%dma_wait3A_18 : memref<128x128xf32, #tpu.memory_space<vmem>>) dst(%dma_wait3A_23 : memref<10000x128xf32, #tpu.memory_space<hbm>>)
      tpu.yield
    }) : () -> ()
    "tpu.region"() ({
      %run_scoped3A = tpu.sem_alloc : memref<!tpu.dma_semaphore, #tpu.memory_space<semaphore_mem>>
      %dma_start3A = arith.constant 128 : i32
      %dma_start3A_10 = arith.constant 0 : i32
      %dma_start3A_11 = tpu.memref_slice %arg12[%dma_start3A, %dma_start3A_10] : memref<320x128xf32, #tpu.memory_space<vmem>> -> memref<128x128xf32, #tpu.memory_space<vmem>>
      %dma_start3A_12 = arith.constant 128 : i32
      %dma_start3A_13 = tpu.memref_slice %arg11[%dma_start3A_12] : memref<320xi32, #tpu.memory_space<vmem>> -> memref<128xi32, #tpu.memory_space<vmem>>
      %dma_start3A_14 = arith.constant 0 : i32
      %dma_start3A_15 = arith.constant 0 : i32
      %dma_start3A_16 = tpu.memref_slice %arg9[%dma_start3A_14, %dma_start3A_15] : memref<10000x128xf32, #tpu.memory_space<hbm>> -> memref<10000x128xf32, #tpu.memory_space<hbm>>
      tpu.enqueue_indirect_dma source(%dma_start3A_11 : memref<128x128xf32, #tpu.memory_space<vmem>>) target(%dma_start3A_16 : memref<10000x128xf32, #tpu.memory_space<hbm>>) offsets(%dma_start3A_13 : memref<128xi32, #tpu.memory_space<vmem>>) semaphore(%run_scoped3A : memref<!tpu.dma_semaphore, #tpu.memory_space<semaphore_mem>>)
      %dma_wait3A = arith.constant 128 : i32
      %dma_wait3A_17 = arith.constant 0 : i32
      %dma_wait3A_18 = tpu.memref_slice %arg12[%dma_wait3A, %dma_wait3A_17] : memref<320x128xf32, #tpu.memory_space<vmem>> -> memref<128x128xf32, #tpu.memory_space<vmem>>
      %dma_wait3A_19 = arith.constant 128 : i32
      %dma_wait3A_20 = tpu.memref_slice %arg11[%dma_wait3A_19] : memref<320xi32, #tpu.memory_space<vmem>> -> memref<128xi32, #tpu.memory_space<vmem>>
      %dma_wait3A_21 = arith.constant 0 : i32
      %dma_wait3A_22 = arith.constant 0 : i32
      %dma_wait3A_23 = tpu.memref_slice %arg9[%dma_wait3A_21, %dma_wait3A_22] : memref<10000x128xf32, #tpu.memory_space<hbm>> -> memref<10000x128xf32, #tpu.memory_space<hbm>>
      tpu.wait_indirect_dma semaphore(%run_scoped3A : memref<!tpu.dma_semaphore, #tpu.memory_space<semaphore_mem>>) src(%dma_wait3A_18 : memref<128x128xf32, #tpu.memory_space<vmem>>) dst(%dma_wait3A_23 : memref<10000x128xf32, #tpu.memory_space<hbm>>)
      tpu.yield
    }) : () -> ()
    "tpu.region"() ({
      %run_scoped3A = tpu.sem_alloc : memref<!tpu.dma_semaphore, #tpu.memory_space<semaphore_mem>>
      %dma_start3A = arith.constant 256 : i32
      %dma_start3A_10 = arith.constant 0 : i32
      %dma_start3A_11 = tpu.memref_slice %arg12[%dma_start3A, %dma_start3A_10] : memref<320x128xf32, #tpu.memory_space<vmem>> -> memref<64x128xf32, #tpu.memory_space<vmem>>
      %dma_start3A_12 = arith.constant 256 : i32
      %dma_start3A_13 = tpu.memref_slice %arg11[%dma_start3A_12] : memref<320xi32, #tpu.memory_space<vmem>> -> memref<64xi32, #tpu.memory_space<vmem>>
      %dma_start3A_14 = arith.constant 0 : i32
      %dma_start3A_15 = arith.constant 0 : i32
      %dma_start3A_16 = tpu.memref_slice %arg9[%dma_start3A_14, %dma_start3A_15] : memref<10000x128xf32, #tpu.memory_space<hbm>> -> memref<10000x128xf32, #tpu.memory_space<hbm>>
      tpu.enqueue_indirect_dma source(%dma_start3A_11 : memref<64x128xf32, #tpu.memory_space<vmem>>) target(%dma_start3A_16 : memref<10000x128xf32, #tpu.memory_space<hbm>>) offsets(%dma_start3A_13 : memref<64xi32, #tpu.memory_space<vmem>>) semaphore(%run_scoped3A : memref<!tpu.dma_semaphore, #tpu.memory_space<semaphore_mem>>)
      %dma_wait3A = arith.constant 256 : i32
      %dma_wait3A_17 = arith.constant 0 : i32
      %dma_wait3A_18 = tpu.memref_slice %arg12[%dma_wait3A, %dma_wait3A_17] : memref<320x128xf32, #tpu.memory_space<vmem>> -> memref<64x128xf32, #tpu.memory_space<vmem>>
      %dma_wait3A_19 = arith.constant 256 : i32
      %dma_wait3A_20 = tpu.memref_slice %arg11[%dma_wait3A_19] : memref<320xi32, #tpu.memory_space<vmem>> -> memref<64xi32, #tpu.memory_space<vmem>>
      %dma_wait3A_21 = arith.constant 0 : i32
      %dma_wait3A_22 = arith.constant 0 : i32
      %dma_wait3A_23 = tpu.memref_slice %arg9[%dma_wait3A_21, %dma_wait3A_22] : memref<10000x128xf32, #tpu.memory_space<hbm>> -> memref<10000x128xf32, #tpu.memory_space<hbm>>
      tpu.wait_indirect_dma semaphore(%run_scoped3A : memref<!tpu.dma_semaphore, #tpu.memory_space<semaphore_mem>>) src(%dma_wait3A_18 : memref<64x128xf32, #tpu.memory_space<vmem>>) dst(%dma_wait3A_23 : memref<10000x128xf32, #tpu.memory_space<hbm>>)
      tpu.yield
    }) : () -> ()
    %mul3A_4 = arith.constant 10000 : i32
    %mul3A_5 = arith.muli %add3A, %mul3A_4 : i32
    "tpu.region"() ({
      %run_scoped3A = tpu.sem_alloc : memref<!tpu.dma_semaphore, #tpu.memory_space<semaphore_mem>>
      tpu.enqueue_dma source(%arg5 : memref<10240xf32, #tpu.memory_space<hbm>>) target(%arg13 : memref<10240xf32, #tpu.memory_space<vmem>>) target_semaphore(%run_scoped3A : memref<!tpu.dma_semaphore, #tpu.memory_space<semaphore_mem>>)
      tpu.wait_dma2 semaphore(%run_scoped3A : memref<!tpu.dma_semaphore, #tpu.memory_space<semaphore_mem>>) src(%arg5 : memref<10240xf32, #tpu.memory_space<hbm>>) dst(%arg13 : memref<10240xf32, #tpu.memory_space<vmem>>)
      tpu.yield
    }) : () -> ()
    "tpu.region"() ({
      %run_scoped3A = tpu.sem_alloc : memref<!tpu.dma_semaphore, #tpu.memory_space<semaphore_mem>>
      %dma_start3A = tpu.memref_slice %arg6[%mul3A_5] : memref<320000xi32, #tpu.memory_space<hbm>> -> memref<10000xi32, #tpu.memory_space<hbm>>
      %dma_start3A_10 = tpu.memref_slice %arg6[%mul3A_5] : memref<320000xi32, #tpu.memory_space<hbm>> -> memref<10000xi32, #tpu.memory_space<hbm>>
      tpu.enqueue_dma source(%dma_start3A_10 : memref<10000xi32, #tpu.memory_space<hbm>>) target(%arg14 : memref<10000xi32, #tpu.memory_space<vmem>>) target_semaphore(%run_scoped3A : memref<!tpu.dma_semaphore, #tpu.memory_space<semaphore_mem>>)
      %dma_wait3A = tpu.memref_slice %arg6[%mul3A_5] : memref<320000xi32, #tpu.memory_space<hbm>> -> memref<10000xi32, #tpu.memory_space<hbm>>
      %dma_wait3A_11 = tpu.memref_slice %arg6[%mul3A_5] : memref<320000xi32, #tpu.memory_space<hbm>> -> memref<10000xi32, #tpu.memory_space<hbm>>
      tpu.wait_dma2 semaphore(%run_scoped3A : memref<!tpu.dma_semaphore, #tpu.memory_space<semaphore_mem>>) src(%dma_wait3A_11 : memref<10000xi32, #tpu.memory_space<hbm>>) dst(%arg14 : memref<10000xi32, #tpu.memory_space<vmem>>)
      tpu.yield
    }) : () -> ()
    "tpu.region"() ({
      %run_scoped3A = tpu.sem_alloc : memref<!tpu.dma_semaphore, #tpu.memory_space<semaphore_mem>>
      %dma_start3A = tpu.memref_slice %arg7[%mul3A_5] : memref<320000xi32, #tpu.memory_space<hbm>> -> memref<10000xi32, #tpu.memory_space<hbm>>
      %dma_start3A_10 = tpu.memref_slice %arg7[%mul3A_5] : memref<320000xi32, #tpu.memory_space<hbm>> -> memref<10000xi32, #tpu.memory_space<hbm>>
      tpu.enqueue_dma source(%dma_start3A_10 : memref<10000xi32, #tpu.memory_space<hbm>>) target(%arg15 : memref<10000xi32, #tpu.memory_space<vmem>>) target_semaphore(%run_scoped3A : memref<!tpu.dma_semaphore, #tpu.memory_space<semaphore_mem>>)
      %dma_wait3A = tpu.memref_slice %arg7[%mul3A_5] : memref<320000xi32, #tpu.memory_space<hbm>> -> memref<10000xi32, #tpu.memory_space<hbm>>
      %dma_wait3A_11 = tpu.memref_slice %arg7[%mul3A_5] : memref<320000xi32, #tpu.memory_space<hbm>> -> memref<10000xi32, #tpu.memory_space<hbm>>
      tpu.wait_dma2 semaphore(%run_scoped3A : memref<!tpu.dma_semaphore, #tpu.memory_space<semaphore_mem>>) src(%dma_wait3A_11 : memref<10000xi32, #tpu.memory_space<hbm>>) dst(%arg15 : memref<10000xi32, #tpu.memory_space<vmem>>)
      tpu.yield
    }) : () -> ()
    %scan3A = arith.constant 0 : i32
    %scan3A_6 = arith.constant 625 : i32
    %scan3A_7 = arith.addi %scan3A, %scan3A_6 : i32
    %scan3A_8 = arith.constant 1 : i32
    scf.for %scan3A_10 = %scan3A to %scan3A_7 step %scan3A_8  : i32 {
      %mul3A_11 = arith.constant 16 : i32
      %mul3A_12 = arith.muli %scan3A_10, %mul3A_11 : i32
      %add3A_13 = arith.constant 0 : i32
      %add3A_14 = arith.addi %add3A_13, %mul3A_12 : i32
      %get3A = arith.index_cast %add3A_14 : i32 to index
      %get3A_15 = tpu.vector_load %arg14[%get3A] {strides = array<i32>} : memref<10000xi32, #tpu.memory_space<vmem>>, vector<16xi32>,
      %get3A_16 = arith.index_cast %add3A_14 : i32 to index
      %get3A_17 = tpu.vector_load %arg15[%get3A_16] {strides = array<i32>} : memref<10000xi32, #tpu.memory_space<vmem>>, vector<16xi32>,
      %gather3A = tpu.vector_load_idx %arg13[%get3A_15] : memref<10240xf32, #tpu.memory_space<vmem>>[vector<16xi32>], vector<16xf32>,
      %gather3A_18 = tpu.vector_load_idx %arg13[%get3A_17] : memref<10240xf32, #tpu.memory_space<vmem>>[vector<16xi32>], vector<16xf32>,
      %mul3A_19 = arith.mulf %gather3A, %gather3A_18 : vector<16xf32>
      %swap3A = arith.index_cast %add3A_14 : i32 to index
      %swap3A_20 = tpu.vector_load %arg16[%swap3A] {strides = array<i32>} : memref<10000xf32, #tpu.memory_space<vmem>>, vector<16xf32>,
      tpu.vector_store %arg16[%swap3A], %mul3A_19 {strides = array<i32>} : memref<10000xf32, #tpu.memory_space<vmem>>, vector<16xf32>,
    }
    %scan3A_9 = arith.constant 625 : i32
    "tpu.region"() ({
      %run_scoped3A = tpu.sem_alloc : memref<!tpu.dma_semaphore, #tpu.memory_space<semaphore_mem>>
      %dma_start3A = tpu.memref_slice %arg10[%mul3A_5] : memref<320000xf32, #tpu.memory_space<hbm>> -> memref<10000xf32, #tpu.memory_space<hbm>>
      %dma_start3A_10 = tpu.memref_slice %arg10[%mul3A_5] : memref<320000xf32, #tpu.memory_space<hbm>> -> memref<10000xf32, #tpu.memory_space<hbm>>
      tpu.enqueue_dma source(%arg16 : memref<10000xf32, #tpu.memory_space<vmem>>) target(%dma_start3A_10 : memref<10000xf32, #tpu.memory_space<hbm>>) target_semaphore(%run_scoped3A : memref<!tpu.dma_semaphore, #tpu.memory_space<semaphore_mem>>)
      %dma_wait3A = tpu.memref_slice %arg10[%mul3A_5] : memref<320000xf32, #tpu.memory_space<hbm>> -> memref<10000xf32, #tpu.memory_space<hbm>>
      %dma_wait3A_11 = tpu.memref_slice %arg10[%mul3A_5] : memref<320000xf32, #tpu.memory_space<hbm>> -> memref<10000xf32, #tpu.memory_space<hbm>>
      tpu.wait_dma2 semaphore(%run_scoped3A : memref<!tpu.dma_semaphore, #tpu.memory_space<semaphore_mem>>) src(%arg16 : memref<10000xf32, #tpu.memory_space<vmem>>) dst(%dma_wait3A_11 : memref<10000xf32, #tpu.memory_space<hbm>>)
      tpu.yield
    }) : () -> ()
    return
  }
}

module attributes {stable_mosaic.version = 14 : i64} {
  func.func @_cs_body(%arg0: memref<10000x3xf32, #tpu.memory_space<vmem>>, %arg1: memref<10000x1xf32, #tpu.memory_space<vmem>>, %arg2: memref<10000x128xf32, #tpu.memory_space<vmem>>) attributes {dimension_semantics = [], scalar_prefetch = 0 : i64, scratch_operands = 0 : i64, tpu.core_type = #tpu.core_type<tc>} {
    %get3A = arith.constant 0 : index
    %get3A_0 = arith.constant 0 : index
    %get3A_1 = vector.load %arg0[%get3A, %get3A_0] : memref<10000x3xf32, #tpu.memory_space<vmem>>, vector<10000x3xf32>
    %get3A_2 = arith.constant 0 : index
    %get3A_3 = arith.constant 0 : index
    %get3A_4 = vector.load %arg1[%get3A_2, %get3A_3] : memref<10000x1xf32, #tpu.memory_space<vmem>>, vector<10000x1xf32>
    %broadcast_in_dim3A = arith.constant 0.000000e+00 : f32
    %broadcast_in_dim3A_5 = vector.broadcast %broadcast_in_dim3A : f32 to vector<10000x124xf32>
    %concatenate3A = tpu.concatenate %get3A_1, %get3A_4, %broadcast_in_dim3A_5 in 1 : vector<10000x3xf32>, vector<10000x1xf32>, vector<10000x124xf32> -> vector<10000x128xf32>
    %swap3A = arith.constant 0 : index
    %swap3A_6 = arith.constant 0 : index
    %swap3A_7 = vector.load %arg2[%swap3A, %swap3A_6] : memref<10000x128xf32, #tpu.memory_space<vmem>>, vector<10000x128xf32>
    tpu.vector_store %arg2[%swap3A, %swap3A_6], %concatenate3A {strides = array<i32>} : memref<10000x128xf32, #tpu.memory_space<vmem>>, vector<10000x128xf32>,
    return
  }
}

module attributes {stable_mosaic.version = 14 : i64} {
  func.func @_rank_body(%arg0: memref<80x128xi32, #tpu.memory_space<vmem>>, %arg1: memref<10240xi32, #tpu.memory_space<smem>>, %arg2: memref<80x128xi32, #tpu.memory_space<vmem>>, %arg3: memref<80x128xf32, #tpu.memory_space<vmem>>) attributes {dimension_semantics = [], scalar_prefetch = 0 : i64, scratch_operands = 0 : i64, tpu.core_type = #tpu.core_type<tc>} {
    %get3A = arith.constant 0 : index
    %get3A_0 = arith.constant 0 : index
    %get3A_1 = vector.load %arg0[%get3A, %get3A_0] : memref<80x128xi32, #tpu.memory_space<vmem>>, vector<80x128xi32>
    %iota3A = tpu.iota {dimensions = array<i32: 0>} : vector<80x128xi32>
    %mul3A = arith.constant 128 : i32
    %mul3A_2 = vector.broadcast %mul3A : i32 to vector<80x128xi32>
    %mul3A_3 = arith.muli %iota3A, %mul3A_2 : vector<80x128xi32>
    %iota3A_4 = tpu.iota {dimensions = array<i32: 1>} : vector<80x128xi32>
    %add3A = arith.addi %mul3A_3, %iota3A_4 : vector<80x128xi32>
    %iota3A_5 = tpu.iota {dimensions = array<i32: 1>} : vector<1x128xi32>
    %broadcast_in_dim3A = arith.constant 0 : i32
    %broadcast_in_dim3A_6 = vector.broadcast %broadcast_in_dim3A : i32 to vector<80x128xi32>
    %scan3A = arith.constant 0 : i32
    %scan3A_7 = arith.constant 80 : i32
    %scan3A_8 = arith.addi %scan3A, %scan3A_7 : i32
    %scan3A_9 = arith.constant 1 : i32
    %scan3A_10 = scf.for %scan3A_28 = %scan3A to %scan3A_8 step %scan3A_9 iter_args(%scan3A_29 = %broadcast_in_dim3A_6) -> (vector<80x128xi32>)  : i32 {
      %add3A_30 = arith.constant 1 : i32
      %add3A_31 = arith.addi %scan3A_28, %add3A_30 : i32
      %mul3A_32 = arith.constant 128 : i32
      %mul3A_33 = arith.muli %add3A_31, %mul3A_32 : i32
      %ge3A = vector.broadcast %mul3A_33 : i32 to vector<80x128xi32>
      %ge3A_34 = arith.cmpi sge, %add3A, %ge3A : vector<80x128xi32>
      %convert_element_type3A_35 = arith.extui %ge3A_34 : vector<80x128xi1> to vector<80x128xi32>
      %sub3A = arith.subi %get3A_1, %convert_element_type3A_35 : vector<80x128xi32>
      %mul3A_36 = arith.constant 128 : i32
      %mul3A_37 = arith.muli %scan3A_28, %mul3A_36 : i32
      %scan3A_38 = arith.constant 0 : i32
      %scan3A_39 = arith.constant 128 : i32
      %scan3A_40 = arith.addi %scan3A_38, %scan3A_39 : i32
      %scan3A_41 = arith.constant 8 : i32
      %scan3A_42 = scf.for %scan3A_44 = %scan3A_38 to %scan3A_40 step %scan3A_41 iter_args(%scan3A_45 = %scan3A_29) -> (vector<80x128xi32>)  : i32 {
        %add3A_46 = arith.addi %mul3A_37, %scan3A_44 : i32
        %get3A_47 = arith.index_cast %add3A_46 : i32 to index
        %get3A_48 = memref.load %arg1[%get3A_47] : memref<10240xi32, #tpu.memory_space<smem>>
        %lt3A_49 = vector.broadcast %get3A_48 : i32 to vector<80x128xi32>
        %lt3A_50 = arith.cmpi slt, %sub3A, %lt3A_49 : vector<80x128xi32>
        %convert_element_type3A_51 = arith.extui %lt3A_50 : vector<80x128xi1> to vector<80x128xi32>
        %add3A_52 = arith.addi %scan3A_45, %convert_element_type3A_51 : vector<80x128xi32>
        %scan3A_53 = arith.constant 1 : i32
        %scan3A_54 = arith.addi %scan3A_44, %scan3A_53 : i32
        %add3A_55 = arith.addi %mul3A_37, %scan3A_54 : i32
        %get3A_56 = arith.index_cast %add3A_55 : i32 to index
        %get3A_57 = memref.load %arg1[%get3A_56] : memref<10240xi32, #tpu.memory_space<smem>>
        %lt3A_58 = vector.broadcast %get3A_57 : i32 to vector<80x128xi32>
        %lt3A_59 = arith.cmpi slt, %sub3A, %lt3A_58 : vector<80x128xi32>
        %convert_element_type3A_60 = arith.extui %lt3A_59 : vector<80x128xi1> to vector<80x128xi32>
        %add3A_61 = arith.addi %add3A_52, %convert_element_type3A_60 : vector<80x128xi32>
        %scan3A_62 = arith.constant 2 : i32
        %scan3A_63 = arith.addi %scan3A_44, %scan3A_62 : i32
        %add3A_64 = arith.addi %mul3A_37, %scan3A_63 : i32
        %get3A_65 = arith.index_cast %add3A_64 : i32 to index
        %get3A_66 = memref.load %arg1[%get3A_65] : memref<10240xi32, #tpu.memory_space<smem>>
        %lt3A_67 = vector.broadcast %get3A_66 : i32 to vector<80x128xi32>
        %lt3A_68 = arith.cmpi slt, %sub3A, %lt3A_67 : vector<80x128xi32>
        %convert_element_type3A_69 = arith.extui %lt3A_68 : vector<80x128xi1> to vector<80x128xi32>
        %add3A_70 = arith.addi %add3A_61, %convert_element_type3A_69 : vector<80x128xi32>
        %scan3A_71 = arith.constant 3 : i32
        %scan3A_72 = arith.addi %scan3A_44, %scan3A_71 : i32
        %add3A_73 = arith.addi %mul3A_37, %scan3A_72 : i32
        %get3A_74 = arith.index_cast %add3A_73 : i32 to index
        %get3A_75 = memref.load %arg1[%get3A_74] : memref<10240xi32, #tpu.memory_space<smem>>
        %lt3A_76 = vector.broadcast %get3A_75 : i32 to vector<80x128xi32>
        %lt3A_77 = arith.cmpi slt, %sub3A, %lt3A_76 : vector<80x128xi32>
        %convert_element_type3A_78 = arith.extui %lt3A_77 : vector<80x128xi1> to vector<80x128xi32>
        %add3A_79 = arith.addi %add3A_70, %convert_element_type3A_78 : vector<80x128xi32>
        %scan3A_80 = arith.constant 4 : i32
        %scan3A_81 = arith.addi %scan3A_44, %scan3A_80 : i32
        %add3A_82 = arith.addi %mul3A_37, %scan3A_81 : i32
        %get3A_83 = arith.index_cast %add3A_82 : i32 to index
        %get3A_84 = memref.load %arg1[%get3A_83] : memref<10240xi32, #tpu.memory_space<smem>>
        %lt3A_85 = vector.broadcast %get3A_84 : i32 to vector<80x128xi32>
        %lt3A_86 = arith.cmpi slt, %sub3A, %lt3A_85 : vector<80x128xi32>
        %convert_element_type3A_87 = arith.extui %lt3A_86 : vector<80x128xi1> to vector<80x128xi32>
        %add3A_88 = arith.addi %add3A_79, %convert_element_type3A_87 : vector<80x128xi32>
        %scan3A_89 = arith.constant 5 : i32
        %scan3A_90 = arith.addi %scan3A_44, %scan3A_89 : i32
        %add3A_91 = arith.addi %mul3A_37, %scan3A_90 : i32
        %get3A_92 = arith.index_cast %add3A_91 : i32 to index
        %get3A_93 = memref.load %arg1[%get3A_92] : memref<10240xi32, #tpu.memory_space<smem>>
        %lt3A_94 = vector.broadcast %get3A_93 : i32 to vector<80x128xi32>
        %lt3A_95 = arith.cmpi slt, %sub3A, %lt3A_94 : vector<80x128xi32>
        %convert_element_type3A_96 = arith.extui %lt3A_95 : vector<80x128xi1> to vector<80x128xi32>
        %add3A_97 = arith.addi %add3A_88, %convert_element_type3A_96 : vector<80x128xi32>
        %scan3A_98 = arith.constant 6 : i32
        %scan3A_99 = arith.addi %scan3A_44, %scan3A_98 : i32
        %add3A_100 = arith.addi %mul3A_37, %scan3A_99 : i32
        %get3A_101 = arith.index_cast %add3A_100 : i32 to index
        %get3A_102 = memref.load %arg1[%get3A_101] : memref<10240xi32, #tpu.memory_space<smem>>
        %lt3A_103 = vector.broadcast %get3A_102 : i32 to vector<80x128xi32>
        %lt3A_104 = arith.cmpi slt, %sub3A, %lt3A_103 : vector<80x128xi32>
        %convert_element_type3A_105 = arith.extui %lt3A_104 : vector<80x128xi1> to vector<80x128xi32>
        %add3A_106 = arith.addi %add3A_97, %convert_element_type3A_105 : vector<80x128xi32>
        %scan3A_107 = arith.constant 7 : i32
        %scan3A_108 = arith.addi %scan3A_44, %scan3A_107 : i32
        %add3A_109 = arith.addi %mul3A_37, %scan3A_108 : i32
        %get3A_110 = arith.index_cast %add3A_109 : i32 to index
        %get3A_111 = memref.load %arg1[%get3A_110] : memref<10240xi32, #tpu.memory_space<smem>>
        %lt3A_112 = vector.broadcast %get3A_111 : i32 to vector<80x128xi32>
        %lt3A_113 = arith.cmpi slt, %sub3A, %lt3A_112 : vector<80x128xi32>
        %convert_element_type3A_114 = arith.extui %lt3A_113 : vector<80x128xi1> to vector<80x128xi32>
        %add3A_115 = arith.addi %add3A_106, %convert_element_type3A_114 : vector<80x128xi32>
        scf.yield %add3A_115 : vector<80x128xi32>
      }
      %scan3A_43 = arith.constant 128 : i32
      scf.yield %scan3A_42 : vector<80x128xi32>
    }
    %scan3A_11 = arith.constant 80 : i32
    %swap3A = arith.constant 0 : index
    %swap3A_12 = arith.constant 0 : index
    %swap3A_13 = vector.load %arg2[%swap3A, %swap3A_12] : memref<80x128xi32, #tpu.memory_space<vmem>>, vector<80x128xi32>
    tpu.vector_store %arg2[%swap3A, %swap3A_12], %scan3A_10 {strides = array<i32>} : memref<80x128xi32, #tpu.memory_space<vmem>>, vector<80x128xi32>,
    %scan3A_14 = arith.constant 0 : i32
    %scan3A_15 = arith.constant 80 : i32
    %scan3A_16 = arith.addi %scan3A_14, %scan3A_15 : i32
    %scan3A_17 = arith.constant 1 : i32
    scf.for %scan3A_28 = %scan3A_14 to %scan3A_16 step %scan3A_17  : i32 {
      %get3A_29 = arith.index_cast %scan3A_28 : i32 to index
      %get3A_30 = arith.constant 0 : index
      %get3A_31 = vector.load %arg0[%get3A_29, %get3A_30] : memref<80x128xi32, #tpu.memory_space<vmem>>, vector<1x128xi32>
      %get3A_32 = arith.index_cast %scan3A_28 : i32 to index
      %get3A_33 = arith.constant 0 : index
      %get3A_34 = vector.load %arg2[%get3A_32, %get3A_33] : memref<80x128xi32, #tpu.memory_space<vmem>>, vector<1x128xi32>
      %scan3A_35 = arith.constant 0 : i32
      %scan3A_36 = arith.constant 128 : i32
      %scan3A_37 = arith.addi %scan3A_35, %scan3A_36 : i32
      %scan3A_38 = arith.constant 8 : i32
      %scan3A_39 = scf.for %scan3A_44 = %scan3A_35 to %scan3A_37 step %scan3A_38 iter_args(%scan3A_45 = %get3A_34) -> (vector<1x128xi32>)  : i32 {
        %mul3A_46 = arith.constant 128 : i32
        %mul3A_47 = arith.muli %scan3A_28, %mul3A_46 : i32
        %add3A_48 = arith.addi %mul3A_47, %scan3A_44 : i32
        %get3A_49 = arith.index_cast %add3A_48 : i32 to index
        %get3A_50 = memref.load %arg1[%get3A_49] : memref<10240xi32, #tpu.memory_space<smem>>
        %eq3A = vector.broadcast %get3A_50 : i32 to vector<1x128xi32>
        %eq3A_51 = arith.cmpi eq, %get3A_31, %eq3A : vector<1x128xi32>
        %gt3A = vector.broadcast %scan3A_44 : i32 to vector<1x128xi32>
        %gt3A_52 = arith.cmpi sgt, %iota3A_5, %gt3A : vector<1x128xi32>
        %and3A = arith.andi %eq3A_51, %gt3A_52 : vector<1x128xi1>
        %convert_element_type3A_53 = arith.extui %and3A : vector<1x128xi1> to vector<1x128xi32>
        %add3A_54 = arith.addi %scan3A_45, %convert_element_type3A_53 : vector<1x128xi32>
        %scan3A_55 = arith.constant 1 : i32
        %scan3A_56 = arith.addi %scan3A_44, %scan3A_55 : i32
        %mul3A_57 = arith.constant 128 : i32
        %mul3A_58 = arith.muli %scan3A_28, %mul3A_57 : i32
        %add3A_59 = arith.addi %mul3A_58, %scan3A_56 : i32
        %get3A_60 = arith.index_cast %add3A_59 : i32 to index
        %get3A_61 = memref.load %arg1[%get3A_60] : memref<10240xi32, #tpu.memory_space<smem>>
        %eq3A_62 = vector.broadcast %get3A_61 : i32 to vector<1x128xi32>
        %eq3A_63 = arith.cmpi eq, %get3A_31, %eq3A_62 : vector<1x128xi32>
        %gt3A_64 = vector.broadcast %scan3A_56 : i32 to vector<1x128xi32>
        %gt3A_65 = arith.cmpi sgt, %iota3A_5, %gt3A_64 : vector<1x128xi32>
        %and3A_66 = arith.andi %eq3A_63, %gt3A_65 : vector<1x128xi1>
        %convert_element_type3A_67 = arith.extui %and3A_66 : vector<1x128xi1> to vector<1x128xi32>
        %add3A_68 = arith.addi %add3A_54, %convert_element_type3A_67 : vector<1x128xi32>
        %scan3A_69 = arith.constant 2 : i32
        %scan3A_70 = arith.addi %scan3A_44, %scan3A_69 : i32
        %mul3A_71 = arith.constant 128 : i32
        %mul3A_72 = arith.muli %scan3A_28, %mul3A_71 : i32
        %add3A_73 = arith.addi %mul3A_72, %scan3A_70 : i32
        %get3A_74 = arith.index_cast %add3A_73 : i32 to index
        %get3A_75 = memref.load %arg1[%get3A_74] : memref<10240xi32, #tpu.memory_space<smem>>
        %eq3A_76 = vector.broadcast %get3A_75 : i32 to vector<1x128xi32>
        %eq3A_77 = arith.cmpi eq, %get3A_31, %eq3A_76 : vector<1x128xi32>
        %gt3A_78 = vector.broadcast %scan3A_70 : i32 to vector<1x128xi32>
        %gt3A_79 = arith.cmpi sgt, %iota3A_5, %gt3A_78 : vector<1x128xi32>
        %and3A_80 = arith.andi %eq3A_77, %gt3A_79 : vector<1x128xi1>
        %convert_element_type3A_81 = arith.extui %and3A_80 : vector<1x128xi1> to vector<1x128xi32>
        %add3A_82 = arith.addi %add3A_68, %convert_element_type3A_81 : vector<1x128xi32>
        %scan3A_83 = arith.constant 3 : i32
        %scan3A_84 = arith.addi %scan3A_44, %scan3A_83 : i32
        %mul3A_85 = arith.constant 128 : i32
        %mul3A_86 = arith.muli %scan3A_28, %mul3A_85 : i32
        %add3A_87 = arith.addi %mul3A_86, %scan3A_84 : i32
        %get3A_88 = arith.index_cast %add3A_87 : i32 to index
        %get3A_89 = memref.load %arg1[%get3A_88] : memref<10240xi32, #tpu.memory_space<smem>>
        %eq3A_90 = vector.broadcast %get3A_89 : i32 to vector<1x128xi32>
        %eq3A_91 = arith.cmpi eq, %get3A_31, %eq3A_90 : vector<1x128xi32>
        %gt3A_92 = vector.broadcast %scan3A_84 : i32 to vector<1x128xi32>
        %gt3A_93 = arith.cmpi sgt, %iota3A_5, %gt3A_92 : vector<1x128xi32>
        %and3A_94 = arith.andi %eq3A_91, %gt3A_93 : vector<1x128xi1>
        %convert_element_type3A_95 = arith.extui %and3A_94 : vector<1x128xi1> to vector<1x128xi32>
        %add3A_96 = arith.addi %add3A_82, %convert_element_type3A_95 : vector<1x128xi32>
        %scan3A_97 = arith.constant 4 : i32
        %scan3A_98 = arith.addi %scan3A_44, %scan3A_97 : i32
        %mul3A_99 = arith.constant 128 : i32
        %mul3A_100 = arith.muli %scan3A_28, %mul3A_99 : i32
        %add3A_101 = arith.addi %mul3A_100, %scan3A_98 : i32
        %get3A_102 = arith.index_cast %add3A_101 : i32 to index
        %get3A_103 = memref.load %arg1[%get3A_102] : memref<10240xi32, #tpu.memory_space<smem>>
        %eq3A_104 = vector.broadcast %get3A_103 : i32 to vector<1x128xi32>
        %eq3A_105 = arith.cmpi eq, %get3A_31, %eq3A_104 : vector<1x128xi32>
        %gt3A_106 = vector.broadcast %scan3A_98 : i32 to vector<1x128xi32>
        %gt3A_107 = arith.cmpi sgt, %iota3A_5, %gt3A_106 : vector<1x128xi32>
        %and3A_108 = arith.andi %eq3A_105, %gt3A_107 : vector<1x128xi1>
        %convert_element_type3A_109 = arith.extui %and3A_108 : vector<1x128xi1> to vector<1x128xi32>
        %add3A_110 = arith.addi %add3A_96, %convert_element_type3A_109 : vector<1x128xi32>
        %scan3A_111 = arith.constant 5 : i32
        %scan3A_112 = arith.addi %scan3A_44, %scan3A_111 : i32
        %mul3A_113 = arith.constant 128 : i32
        %mul3A_114 = arith.muli %scan3A_28, %mul3A_113 : i32
        %add3A_115 = arith.addi %mul3A_114, %scan3A_112 : i32
        %get3A_116 = arith.index_cast %add3A_115 : i32 to index
        %get3A_117 = memref.load %arg1[%get3A_116] : memref<10240xi32, #tpu.memory_space<smem>>
        %eq3A_118 = vector.broadcast %get3A_117 : i32 to vector<1x128xi32>
        %eq3A_119 = arith.cmpi eq, %get3A_31, %eq3A_118 : vector<1x128xi32>
        %gt3A_120 = vector.broadcast %scan3A_112 : i32 to vector<1x128xi32>
        %gt3A_121 = arith.cmpi sgt, %iota3A_5, %gt3A_120 : vector<1x128xi32>
        %and3A_122 = arith.andi %eq3A_119, %gt3A_121 : vector<1x128xi1>
        %convert_element_type3A_123 = arith.extui %and3A_122 : vector<1x128xi1> to vector<1x128xi32>
        %add3A_124 = arith.addi %add3A_110, %convert_element_type3A_123 : vector<1x128xi32>
        %scan3A_125 = arith.constant 6 : i32
        %scan3A_126 = arith.addi %scan3A_44, %scan3A_125 : i32
        %mul3A_127 = arith.constant 128 : i32
        %mul3A_128 = arith.muli %scan3A_28, %mul3A_127 : i32
        %add3A_129 = arith.addi %mul3A_128, %scan3A_126 : i32
        %get3A_130 = arith.index_cast %add3A_129 : i32 to index
        %get3A_131 = memref.load %arg1[%get3A_130] : memref<10240xi32, #tpu.memory_space<smem>>
        %eq3A_132 = vector.broadcast %get3A_131 : i32 to vector<1x128xi32>
        %eq3A_133 = arith.cmpi eq, %get3A_31, %eq3A_132 : vector<1x128xi32>
        %gt3A_134 = vector.broadcast %scan3A_126 : i32 to vector<1x128xi32>
        %gt3A_135 = arith.cmpi sgt, %iota3A_5, %gt3A_134 : vector<1x128xi32>
        %and3A_136 = arith.andi %eq3A_133, %gt3A_135 : vector<1x128xi1>
        %convert_element_type3A_137 = arith.extui %and3A_136 : vector<1x128xi1> to vector<1x128xi32>
        %add3A_138 = arith.addi %add3A_124, %convert_element_type3A_137 : vector<1x128xi32>
        %scan3A_139 = arith.constant 7 : i32
        %scan3A_140 = arith.addi %scan3A_44, %scan3A_139 : i32
        %mul3A_141 = arith.constant 128 : i32
        %mul3A_142 = arith.muli %scan3A_28, %mul3A_141 : i32
        %add3A_143 = arith.addi %mul3A_142, %scan3A_140 : i32
        %get3A_144 = arith.index_cast %add3A_143 : i32 to index
        %get3A_145 = memref.load %arg1[%get3A_144] : memref<10240xi32, #tpu.memory_space<smem>>
        %eq3A_146 = vector.broadcast %get3A_145 : i32 to vector<1x128xi32>
        %eq3A_147 = arith.cmpi eq, %get3A_31, %eq3A_146 : vector<1x128xi32>
        %gt3A_148 = vector.broadcast %scan3A_140 : i32 to vector<1x128xi32>
        %gt3A_149 = arith.cmpi sgt, %iota3A_5, %gt3A_148 : vector<1x128xi32>
        %and3A_150 = arith.andi %eq3A_147, %gt3A_149 : vector<1x128xi1>
        %convert_element_type3A_151 = arith.extui %and3A_150 : vector<1x128xi1> to vector<1x128xi32>
        %add3A_152 = arith.addi %add3A_138, %convert_element_type3A_151 : vector<1x128xi32>
        scf.yield %add3A_152 : vector<1x128xi32>
      }
      %scan3A_40 = arith.constant 128 : i32
      %swap3A_41 = arith.index_cast %scan3A_28 : i32 to index
      %swap3A_42 = arith.constant 0 : index
      %swap3A_43 = vector.load %arg2[%swap3A_41, %swap3A_42] : memref<80x128xi32, #tpu.memory_space<vmem>>, vector<1x128xi32>
      tpu.vector_store %arg2[%swap3A_41, %swap3A_42], %scan3A_39 {strides = array<i32>} : memref<80x128xi32, #tpu.memory_space<vmem>>, vector<1x128xi32>,
    }
    %scan3A_18 = arith.constant 80 : i32
    %get3A_19 = arith.constant 0 : index
    %get3A_20 = arith.constant 0 : index
    %get3A_21 = vector.load %arg2[%get3A_19, %get3A_20] : memref<80x128xi32, #tpu.memory_space<vmem>>, vector<80x128xi32>
    %lt3A = arith.constant 8000 : i32
    %lt3A_22 = vector.broadcast %lt3A : i32 to vector<80x128xi32>
    %lt3A_23 = arith.cmpi slt, %get3A_21, %lt3A_22 : vector<80x128xi32>
    %convert_element_type3A = arith.extui %lt3A_23 : vector<80x128xi1> to vector<80x128xi32>
    %convert_element_type3A_24 = arith.sitofp %convert_element_type3A : vector<80x128xi32> to vector<80x128xf32>
    %swap3A_25 = arith.constant 0 : index
    %swap3A_26 = arith.constant 0 : index
    %swap3A_27 = vector.load %arg3[%swap3A_25, %swap3A_26] : memref<80x128xf32, #tpu.memory_space<vmem>>, vector<80x128xf32>
    tpu.vector_store %arg3[%swap3A_25, %swap3A_26], %convert_element_type3A_24 {strides = array<i32>} : memref<80x128xf32, #tpu.memory_space<vmem>>, vector<80x128xf32>,
    return
  }
}

module attributes {stable_mosaic.version = 14 : i64} {
  func.func @_emask_body(%arg0: i32, %arg1: memref<2000x128xf32, #tpu.memory_space<vmem>>, %arg2: memref<2000x8xf32, #tpu.memory_space<vmem>>, %arg3: memref<2000x128xf32, #tpu.memory_space<vmem>>) attributes {dimension_semantics = [#tpu.dimension_semantics<arbitrary>], iteration_bounds = array<i64: 20>, scalar_prefetch = 0 : i64, scratch_operands = 0 : i64, tpu.core_type = #tpu.core_type<tc>, window_params = [{transform_indices = @transform_0, window_bounds = array<i64: 2000, 128>}, {transform_indices = @transform_1, window_bounds = array<i64: 2000, 8>}, {transform_indices = @transform_2, window_bounds = array<i64: 2000, 128>}]} {
    %iota3A = tpu.iota {dimensions = array<i32: 0>} : vector<8x128xi32>
    %iota3A_0 = tpu.iota {dimensions = array<i32: 1>} : vector<8x128xi32>
    %jit3A = arith.constant 16 : i32
    %div3A = vector.broadcast %jit3A : i32 to vector<8x128xi32>
    %div3A_1 = arith.divsi %iota3A_0, %div3A : vector<8x128xi32>
    %sign3A = arith.constant 0 : i32
    %sign3A_2 = vector.broadcast %sign3A : i32 to vector<8x128xi32>
    %sign3A_3 = arith.cmpi sgt, %iota3A_0, %sign3A_2 : vector<8x128xi32>
    %sign3A_4 = arith.extui %sign3A_3 : vector<8x128xi1> to vector<8x128xi32>
    %sign3A_5 = arith.constant 0 : i32
    %sign3A_6 = vector.broadcast %sign3A_5 : i32 to vector<8x128xi32>
    %sign3A_7 = arith.cmpi slt, %iota3A_0, %sign3A_6 : vector<8x128xi32>
    %sign3A_8 = arith.extui %sign3A_7 : vector<8x128xi1> to vector<8x128xi32>
    %sign3A_9 = arith.subi %sign3A_4, %sign3A_8 : vector<8x128xi32>
    %sign3A_10 = arith.constant 0 : i32
    %sign3A_11 = arith.cmpi sgt, %jit3A, %sign3A_10 : i32
    %sign3A_12 = arith.extui %sign3A_11 : i1 to i32
    %sign3A_13 = arith.constant 0 : i32
    %sign3A_14 = arith.cmpi slt, %jit3A, %sign3A_13 : i32
    %sign3A_15 = arith.extui %sign3A_14 : i1 to i32
    %sign3A_16 = arith.subi %sign3A_12, %sign3A_15 : i32
    %ne3A = vector.broadcast %sign3A_16 : i32 to vector<8x128xi32>
    %ne3A_17 = arith.cmpi ne, %sign3A_9, %ne3A : vector<8x128xi32>
    %rem3A = vector.broadcast %jit3A : i32 to vector<8x128xi32>
    %rem3A_18 = arith.remsi %iota3A_0, %rem3A : vector<8x128xi32>
    %ne3A_19 = arith.constant 0 : i32
    %ne3A_20 = vector.broadcast %ne3A_19 : i32 to vector<8x128xi32>
    %ne3A_21 = arith.cmpi ne, %rem3A_18, %ne3A_20 : vector<8x128xi32>
    %and3A = arith.andi %ne3A_17, %ne3A_21 : vector<8x128xi1>
    %sub3A = arith.constant 1 : i32
    %sub3A_22 = vector.broadcast %sub3A : i32 to vector<8x128xi32>
    %sub3A_23 = arith.subi %div3A_1, %sub3A_22 : vector<8x128xi32>
    %select_n3A = arith.select %and3A, %sub3A_23, %div3A_1 : vector<8x128xi1>, vector<8x128xi32>
    %eq3A = arith.cmpi eq, %iota3A, %select_n3A : vector<8x128xi32>
    %get3A = arith.constant 0 : index
    %get3A_24 = arith.constant 0 : index
    %get3A_25 = vector.load %arg2[%get3A, %get3A_24] : memref<2000x8xf32, #tpu.memory_space<vmem>>, vector<2000x8xf32>
    %convert_element_type3A = arith.truncf %get3A_25 : vector<2000x8xf32> to vector<2000x8xbf16>
    %convert_element_type3A_26 = arith.extui %eq3A : vector<8x128xi1> to vector<8x128xi32>
    %convert_element_type3A_27 = arith.sitofp %convert_element_type3A_26 : vector<8x128xi32> to vector<8x128xf32>
    %convert_element_type3A_28 = arith.truncf %convert_element_type3A_27 : vector<8x128xf32> to vector<8x128xbf16>
    %dot_general3A = arith.constant dense<0.000000e+00> : vector<2000x128xf32>
    %dot_general3A_29 = tpu.matmul %convert_element_type3A, %convert_element_type3A_28, %dot_general3A {dimension_numbers = #tpu.dot_dimension_numbers<[1], [0], [0], [1], [0, 0, 1, 1], [], []>, transpose_lhs_hint = false} : vector<2000x8xbf16>, vector<8x128xbf16>, vector<2000x128xf32> -> vector<2000x128xf32>
    %get3A_30 = arith.constant 0 : index
    %get3A_31 = arith.constant 0 : index
    %get3A_32 = vector.load %arg1[%get3A_30, %get3A_31] : memref<2000x128xf32, #tpu.memory_space<vmem>>, vector<2000x128xf32>
    %mul3A = arith.mulf %get3A_32, %dot_general3A_29 : vector<2000x128xf32>
    %swap3A = arith.constant 0 : index
    %swap3A_33 = arith.constant 0 : index
    %swap3A_34 = vector.load %arg3[%swap3A, %swap3A_33] : memref<2000x128xf32, #tpu.memory_space<vmem>>, vector<2000x128xf32>
    tpu.vector_store %arg3[%swap3A, %swap3A_33], %mul3A {strides = array<i32>} : memref<2000x128xf32, #tpu.memory_space<vmem>>, vector<2000x128xf32>,
    return
  }
  func.func @transform_0(%arg0: i32) -> (i32, i32) {
    %c0_i32 = arith.constant 0 : i32
    %c0_i32_0 = arith.constant 0 : i32
    return %arg0, %c0_i32 : i32, i32
  }
  func.func @transform_1(%arg0: i32) -> (i32, i32) {
    %c0_i32 = arith.constant 0 : i32
    %c0_i32_0 = arith.constant 0 : i32
    return %arg0, %c0_i32 : i32, i32
  }
  func.func @transform_2(%arg0: i32) -> (i32, i32) {
    %c0_i32 = arith.constant 0 : i32
    %c0_i32_0 = arith.constant 0 : i32
    return %arg0, %c0_i32 : i32, i32
  }
}

module attributes {stable_mosaic.version = 14 : i64} {
  func.func @_mul_body(%arg0: i32, %arg1: memref<1000x128xf32, #tpu.memory_space<vmem>>, %arg2: memref<1000x1xf32, #tpu.memory_space<vmem>>, %arg3: memref<1000x128xf32, #tpu.memory_space<vmem>>) attributes {dimension_semantics = [#tpu.dimension_semantics<arbitrary>], iteration_bounds = array<i64: 8>, scalar_prefetch = 0 : i64, scratch_operands = 0 : i64, tpu.core_type = #tpu.core_type<tc>, window_params = [{transform_indices = @transform_0, window_bounds = array<i64: 1000, 128>}, {transform_indices = @transform_1, window_bounds = array<i64: 1000, 1>}, {transform_indices = @transform_2, window_bounds = array<i64: 1000, 128>}]} {
    %get3A = arith.constant 0 : index
    %get3A_0 = arith.constant 0 : index
    %get3A_1 = vector.load %arg1[%get3A, %get3A_0] : memref<1000x128xf32, #tpu.memory_space<vmem>>, vector<1000x128xf32>
    %get3A_2 = arith.constant 0 : index
    %get3A_3 = arith.constant 0 : index
    %get3A_4 = vector.load %arg2[%get3A_2, %get3A_3] : memref<1000x1xf32, #tpu.memory_space<vmem>>, vector<1000x1xf32>
    %mul3A = vector.broadcast %get3A_4 : vector<1000x1xf32> to vector<1000x128xf32>
    %mul3A_5 = arith.mulf %get3A_1, %mul3A : vector<1000x128xf32>
    %swap3A = arith.constant 0 : index
    %swap3A_6 = arith.constant 0 : index
    %swap3A_7 = vector.load %arg3[%swap3A, %swap3A_6] : memref<1000x128xf32, #tpu.memory_space<vmem>>, vector<1000x128xf32>
    tpu.vector_store %arg3[%swap3A, %swap3A_6], %mul3A_5 {strides = array<i32>} : memref<1000x128xf32, #tpu.memory_space<vmem>>, vector<1000x128xf32>,
    return
  }
  func.func @transform_0(%arg0: i32) -> (i32, i32) {
    %c0_i32 = arith.constant 0 : i32
    %c0_i32_0 = arith.constant 0 : i32
    return %arg0, %c0_i32 : i32, i32
  }
  func.func @transform_1(%arg0: i32) -> (i32, i32) {
    %c0_i32 = arith.constant 0 : i32
    %c0_i32_0 = arith.constant 0 : i32
    return %arg0, %c0_i32 : i32, i32
  }
  func.func @transform_2(%arg0: i32) -> (i32, i32) {
    %c0_i32 = arith.constant 0 : i32
    %c0_i32_0 = arith.constant 0 : i32
    return %arg0, %c0_i32 : i32, i32
  }
}

</mosaic_0001>

<sc_bundles>
// kernel: kernel.7.cloned.1.call-start
scs
__scs_entry_jumppad:
0x0: {  	(pc) =	sbr.rel $0x88, $3  }
0x1: {  	(tag) =	ssettag $0x0;
	lr =	simm.s32 $0x1  }
0x2: {  	[smem:$0x3F9B] =	sst lr;
	_ =	strace $0xD0000000  }
0x3: {  	_ = 	snop  }
0x4: {  	_ = 	snop  }
0x5: {  	_ = 	snop  }
0x6: {  	_ = 	snop  }
0x7: {  	_ = 	snop  }
__scs_overlays_trampoline_lowered:
0x8: {  	[smem:$0x3FAA] =	sst s0  }
0x9: {  	[smem:$0x3FAB] =	sst s1  }
0xa: {  	[smem:$0x3FAC] =	sst s2  }
0xb: {  	[smem:$0x3FAD] =	sst s3  }
0xc: {  	[smem:$0x3FAE] =	sst s4  }
0xd: {  	[smem:$0x3FAF] =	sst s5  }
0xe: {  	[smem:$0x3FB0] =	sst s6  }
0xf: {  	[smem:$0x3FB1] =	sst s7  }
0x10: {  	[smem:$0x3FB2] =	sst s8  }
0x11: {  	[smem:$0x3FB3] =	sst s9;
	s0 =	simm.s32 @!p0 $0x0  }
0x12: {  	s1 =	sld [smem:$0x3F99];
	s0 =	simm.s32 @p0 $0x1  }
0x13: {  	[smem:$0x3FB4] =	sst s0;
	s0 =	simm.s32 @!p1 $0x0  }
0x14: {  	s2 =	sld [smem:$0x3F98];
	s0 =	simm.s32 @p1 $0x1  }
0x15: {  	[smem:$0x3FB5] =	sst s0;
	s0 =	simm.s32 @!p2 $0x0  }
0x16: {  	s3 =	sld [smem:$0x3FDB];
	s0 =	simm.s32 @p2 $0x1  }
0x17: {  	s4 =	simm.s32 $0x1BF5;
	[smem:$0x3FB7] =	sst s0  }
0x18: {  	s0 =	sld [smem:$0x3F9A];
	_ =	swait.ge [sflag:s4], $0x0  }
0x19: {  	s7 =	sld [smem:$0x3F9B]  }
0x1a: {  	s8 =	sadd.s32 $0xFFFFE003, lr  }
0x1b: {  	s9 =	sadd.s32 $0xFFFFFEF7, lr;
	s5 =	simm.s32 $0xFFFFFFFF;
	p2 =	slt.u32 s8, $0xFFFFF086  }
0x1c: {  	p1 =	slt.u32 s9, $0xF7A;
	s5 =	simm.s32 @!p2 $0x0  }
0x1d: {  	s5 =	simm.s32 @p1 $0x1;
	p0 =	seq.s32 s7, s2  }
0x1e: {  	s7 =	smul.u32 @!p0 $0xF7A, s2;
	p2 =	seq.s32 @!p0 s5, $0x0  }
0x1f: {  	s9 =	smul.u32 $0xF7A, s1;
	s8 =	simm.s32 @!p0 $0x1BF5;
	p2 =	por !p2, p0  }
0x20: {  	[sflag:s8] =	ssyncset.s32 @!p0 $0xFFFFF086;
	s6 =	sadd.s32 @!p0 s3, s7;
	s7 =	simm.s32 @!p0 $0x108  }
0x21: {  	s3 =	sadd.s32 s3, s9;
	s6 =	sadd.s32 @!p0 $0x88, s6;
	s7 =	simm.s32 @p2 $0x1082  }
0x22: {  	[simem:s7], [sflag:s8] =	dma.local @!p0 [hbm:s6], $0xF7A  }
0x23: {  	s9 =	sor.u32 $0xD0000000, s2;
	s6 =	simm.s32 $0x108;
	_ =	swait.ge @!p0 [sflag:s8], $0x0  }
0x24: {  	s3 =	sadd.s32 $0x88, s3;
	s6 =	simm.s32 @!p1 $0x1082;
	[sflag:s4] =	ssyncset.s32 $0xFFFFF086  }
0x25: {  	[simem:s6], [sflag:s4] =	dma.local [hbm:s3], $0xF7A  }
0x26: {  	[smem:$0x3F9B] =	sst s1;
	(tag) =	ssettag s2;
	_ =	strace s9  }
0x27: {  	s1 =	sld [smem:$0x3FAB]  }
0x28: {  	s2 =	sld [smem:$0x3FAC]  }
0x29: {  	s4 =	sld [smem:$0x3FAE]  }
0x2a: {  	p0 =	seq.s32 s5, $0x0;
	s5 =	sld [smem:$0x3FAF]  }
0x2b: {  	s6 =	sld [smem:$0x3FB0]  }
0x2c: {  	s7 =	sld [smem:$0x3FB1]  }
0x2d: {  	s3 =	simm.s32 $0x108;
	s8 =	sld [smem:$0x3FB2]  }
0x2e: {  	s3 =	simm.s32 @!p0 $0x1082;
	s9 =	sld [smem:$0x3FB3]  }
0x2f: {  	lr =	sadd.s32 s0, s3;
	s0 =	sld [smem:$0x3FAA]  }
0x30: {  	s3 =	sld [smem:$0x3FAD]  }
0x31: {  	[smem:$0x3FB6] =	sst s10  }
0x32: {  	s10 =	sld [smem:$0x3FB4];
	_ =	sdelay $0x3  }
0x33: {  	p0 =	seq.s32 s10, $0x1;
	s10 =	sld [smem:$0x3FB6];
	_ =	sdelay $0x3  }
0x34: {  	[smem:$0x3FB6] =	sst s10  }
0x35: {  	s10 =	sld [smem:$0x3FB5];
	_ =	sdelay $0x3  }
0x36: {  	p1 =	seq.s32 s10, $0x1;
	s10 =	sld [smem:$0x3FB6];
	_ =	sdelay $0x3  }
0x37: {  	[smem:$0x3FB6] =	sst s10  }
0x38: {  	s10 =	sld [smem:$0x3FB7]  }
0x39: {  	_ = 	snop;
	(pc) =	sbr.ind lr, $3  }
0x3a: {  	_ = 	snop  }
0x3b: {  	_ = 	snop  }
0x3c: {  	p2 =	seq.s32 s10, $0x1;
	s10 =	sld [smem:$0x3FB6]  }
0x3d: {  	_ =	shalt  }
0x3e: {  	_ =	shalt  }
0x3f: {  	_ =	shalt  }
0x40: {  	_ =	shalt  }
0x41: {  	_ =	shalt  }
0x42: {  	_ =	shalt  }
0x43: {  	_ =	shalt  }
0x44: {  	_ =	shalt  }
0x45: {  	_ =	shalt  }
0x46: {  	_ =	shalt  }
0x47: {  	_ =	shalt  }
0x48: {  	_ =	shalt  }
0x49: {  	_ =	shalt  }
0x4a: {  	_ =	shalt  }
0x4b: {  	_ =	shalt  }
0x4c: {  	_ =	shalt  }
0x4d: {  	_ =	shalt  }
0x4e: {  	_ =	shalt  }
0x4f: {  	_ =	shalt  }
0x50: {  	_ =	shalt  }
0x51: {  	_ =	shalt  }
0x52: {  	_ =	shalt  }
0x53: {  	_ =	shalt  }
0x54: {  	_ =	shalt  }
0x55: {  	_ =	shalt  }
0x56: {  	_ =	shalt  }
0x57: {  	_ =	shalt  }
0x58: {  	_ =	shalt  }
0x59: {  	_ =	shalt  }
0x5a: {  	_ =	shalt  }
0x5b: {  	_ =	shalt  }
0x5c: {  	_ =	shalt  }
0x5d: {  	_ =	shalt  }
0x5e: {  	_ =	shalt  }
0x5f: {  	_ =	shalt  }
0x60: {  	_ =	shalt  }
0x61: {  	_ =	shalt  }
0x62: {  	_ =	shalt  }
0x63: {  	_ =	shalt  }
0x64: {  	_ =	shalt  }
0x65: {  	_ =	shalt  }
0x66: {  	_ =	shalt  }
0x67: {  	_ =	shalt  }
0x68: {  	_ =	shalt  }
0x69: {  	_ =	shalt  }
0x6a: {  	_ =	shalt  }
0x6b: {  	_ =	shalt  }
0x6c: {  	_ =	shalt  }
0x6d: {  	_ =	shalt  }
0x6e: {  	_ =	shalt  }
0x6f: {  	_ =	shalt  }
0x70: {  	_ =	shalt  }
0x71: {  	_ =	shalt  }
0x72: {  	_ =	shalt  }
0x73: {  	_ =	shalt  }
0x74: {  	_ =	shalt  }
0x75: {  	_ =	shalt  }
0x76: {  	_ =	shalt  }
0x77: {  	_ =	shalt  }
0x78: {  	_ =	shalt  }
0x79: {  	_ =	shalt  }
0x7a: {  	_ =	shalt  }
0x7b: {  	_ =	shalt  }
0x7c: {  	_ =	shalt  }
0x7d: {  	_ =	shalt  }
0x7e: {  	_ =	shalt  }
0x7f: {  	_ =	shalt  }
0x80: {  	_ =	shalt  }
0x81: {  	_ =	shalt  }
0x82: {  	_ =	shalt  }
0x83: {  	_ =	shalt  }
0x84: {  	_ =	shalt  }
0x85: {  	_ =	shalt  }
0x86: {  	_ =	shalt  }
0x87: {  	_ =	shalt  }
.Lfunc_end0:
.L_simem_size_0:
called_computation_lowered:
.L_overlay_start_0:
0x88: {  	s2 =	sld [smem:$0x3FD9]  }
0x89: {  	s3 =	sld [smem:$0x3FFE];
	_ =	sdelay $0x1  }
0x8a: {  	s1 =	srdreg.scid  }
0x8b: {  	s0 =	sand.u32 $0x1, s1  }
0x8c: {  	s14 =	sshll.u32 s0, $0xA;
	s2 =	sadd.s32 s3, s2  }
0x8d: {  	s2 =	sadd.s32 s2, s14  }
0x8e: {  	[smem:$0x3FC2] =	sst s2  }
0x8f: {  	_ = 	snop  }
0x90: {  	s2 =	sld [smem:$0x3FD0];
	_ =	sdelay $0x2  }
0x91: {  	s4 =	simm.s32 $0xA;
	s5 =	simm.s32 $0x10;
	s15 =	sld [smem:$0x3FC9]  }
0x92: {  	[smem:s5], [sflag:s4] =	dma.local [hbm:s2], $0x1  }
0x93: {  	_ =	swait.eq [sflag:s4], $0x1  }
0x94: {  	[sflag:s4] =	ssyncset.done $0x0  }
0x95: {  	s16 =	sld [smem:$0x10];
	[sflag:s4] =	ssyncadd.s32 $0xFFFFFFFF  }
0x96: {  	s17 =	sld [smem:$0x11];
	(tm) =	ssettm $0x1  }
0x97: {  	s18 =	sld [smem:$0x3FFB];
	_ =	sdelay $0x3  }
0x98: {  	_ =	strace s18  }
0x99: {  	s5 =	sld [smem:$0x3FFC];
	_ =	sdelay $0x3  }
0x9a: {  	_ =	strace s5  }
0x9b: {  	s5 =	sld [smem:$0x3FFD];
	_ =	sdelay $0x3  }
0x9c: {  	_ =	strace s5  }
0x9d: {  	_ =	strace $0x8FFFFFFF  }
0x9e: {  	s19 =	sld [smem:$0x3FDB];
	_ =	sdelay $0x1  }
0x9f: {  	s6 =	simm.s32 $_scs_section_size  }
0xa0: {  	s7 =	simm.s32 $_size__tile_overlayer_lowered;
	s8 =	simm.s32 $_tile_overlayer_lowered  }
0xa1: {  	s22 =	simm.s32 $0x1BFF;
	s21 =	sshll.u32 s8, $0x1;
	s5 =	sadd.s32 s6, s19  }
0xa2: {  	s9 =	simm.s32 $0x0;
	s20 =	sshll.u32 s7, $0x1;
	s7 =	sadd.s32 s21, s5  }
0xa3: {  	[timem:s9], [sflag:s22] =	dma.local [hbm:s7], s20  }
0xa4: {  	_ =	swait.ge [sflag:s22], s20  }
0xa5: {  	s6 =	ssub.s32 $0x0, s20;
	[sflag:s22] =	ssyncset.done $0x0  }
0xa6: {  	[sflag:s22] =	ssyncadd.s32 s6;
	_ =	sdelay $0x1  }
0xa7: {  	s23 =	simm.s32 $0x1B8B  }
0xa8: {  	_ =	swait.ge [sflag:s23], $0x1  }
0xa9: {  	[sflag:s23] =	ssyncset.done $0x0  }
0xaa: {  	s25 =	simm.s32 $0x1B8E;
	s24 =	sld [smem:$0x3FFE];
	[sflag:s23] =	ssyncadd.s32 $0xFFFFFFFF  }
0xab: {  	s26 =	simm.s32 $execute0_lowered;
	[smem:$0x3FD2] =	sst s25  }
0xac: {  	s7 =	sshll.u32 s26, $0x1;
	_ =	strace $0x80000046;
	[dreg:$0x1] =	wrdreg $0xFFFFFFFF  }
0xad: {  	s28 =	simm.s32 $_size_execute0_lowered;
	s5 =	sadd.s32 s5, s7;
	[dreg:$0x0] =	wrdreg $0x0  }
0xae: {  	s7 =	sshll.u32 s28, $0x1;
	[dreg:$0x2] =	wrdreg s5  }
0xaf: {  	[dreg:$0x3] =	wrdreg s7  }
0xb0: {  	[dreg:$0x4] =	wrdreg $0xC0  }
0xb1: {  	_ =	task [dreg:s9], $0x5FFFF  }
0xb2: {  	[dreg:$0x1] =	wrdreg $0xFFFFFFFF  }
0xb3: {  	[dreg:$0x0] =	wrdreg $0x60  }
0xb4: {  	[dreg:$0x2] =	wrdreg s15  }
0xb5: {  	[dreg:$0x3] =	wrdreg s24  }
0xb6: {  	[dreg:$0x4] =	wrdreg s17  }
0xb7: {  	[dreg:$0x5] =	wrdreg s16  }
0xb8: {  	[dreg:$0x6] =	wrdreg $0x9  }
0xb9: {  	_ =	task.clear_ibuf [dreg:s9], $0x7FFFF;
	_ =	strace $0x90000046  }
0xba: {  	s29 =	simm.s32 $0x9;
	_ =	strace $0x80000048  }
0xbb: {  	_ =	swait.ge [sflag:s29], $0x1  }
0xbc: {  	[sflag:s29] =	ssyncadd.s32 $0xFFFFFFFF  }
0xbd: {  	_ =	strace $0x90000048  }
0xbe: {  	_ =	sfence  }
0xbf: {  	s30 =	sld [smem:$0x0];
	_ =	sdelay $0x2  }
0xc0: {  	s31 =	sshll.u32 s1, $0xD;
	s1 =	sshrl.u32 s1, $0x2  }
0xc1: {  	s3 =	sand.u32 $0x4000, s31;
	s1 =	sadd.s32 s1, s30  }
0xc2: {  	s0 =	sor.u32 s3, s0;
	s1 =	sshll.u32 s1, $0x11  }
0xc3: {  	s0 =	sor.u32 s1, s0  }
0xc4: {  	s0 =	sadd.s32 $0x8F2B, s0  }
0xc5: {  	[sflag:s0] =	ssyncadd.remote.s32 $0x1  }
0xc6: {  	_ =	sfence.sel $0xFFFF  }
0xc7: {  	[dreg:$0x0] =	wrdreg $0xFFFFFFFF;
	(pc) =	sbr.abs _section_cstart, $3  }
0xc8: {  	[dreg:$0x1] =	wrdreg $0xFFFFFFFF  }
0xc9: {  	_ =	task.clear_ibuf [dreg:s9], $0x2FFFF;
	_ =	strace $0x9FFFFFFF  }
0xca: {  	(tm) =	ssettm $0x7FFFFFFF  }
0xcb: {  	_ =	shalt  }
tec
execute0_lowered:
.L_overlay_start_1:
0x0: {  	(tag) =	ssettag $0x1  }
0x1: {  	s7 =	rddreg [dreg:$0x0]  }
0x2: {  	s6 =	rddreg [dreg:$0x1]  }
0x3: {  	s1 =	srdreg.scid;
	s9 =	rddreg [dreg:$0x2]  }
0x4: {  	s0 =	stileid.u32;
	s10 =	rddreg [dreg:$0x3]  }
0x5: {  	s2 =	simm.s32 $0x0;
	s17 =	simm.s32 $0x40;
	s18 =	simm.s32 $0x100  }
0x6: {  	s19 =	simm.s32 $0x8180;
	s20 =	simm.s32 $0xA180;
	s21 =	simm.s32 $0xC980  }
0x7: {  	s22 =	simm.s32 $0xF100;
	s23 =	simm.s32 $0x11880;
	s24 =	simm.s32 $0x0  }
0x8: {  	s5 =	sand.u32 $0x1, s1;
	s30 =	sshll.u32 s0, $0x1;
	s1 =	rddreg [dreg:$0x4]  }
0x9: {  	[smem:$0x7FF] =	sst s2;
	s4 =	sadd.s32 $0x65200, s6;
	s8 =	sor.u32 s5, s30  }
0xa: {  	_ =	strace $0x80000047;
	s31 =	ssub.s32 $0x2, s5;
	s3 =	smul.u32 $0x140, s8  }
0xb: {  	s5 =	sadd.s32 $0x34200, s6;
	s14 =	smul.u32 $0x4E2, s8;
	s15 =	sshrl.u32 s31, $0x1  }
0xc: {  	s15 =	ssub.s32 s31, s15;
	s11 =	smin.u32 s3, $0x25D0;
	s3 =	sadd.s32 $0x33C00, s6  }
0xd: {  	s16 =	sadd.s32 s14, s6;
	s10 =	sadd.s32 s10, s14;
	s12 =	sshll.u32 s11, $0x4  }
0xe: {  	s14 =	simm.s32 $0x180;
	s11 =	sshrl.u32 s11, $0x3;
	s13 =	sadd.s32 s12, s6  }
0xf: {  	s6 =	sadd.s32 s9, s11;
	s7 =	sadd.s32 s7, s12;
	s9 =	sadd.s32 $0x2C00, s16  }
0x10: {  	s11 =	sadd.s32 $0x5B400, s16;
	s12 =	smax.u32 s15, $0x1;
	s15 =	simm.s32 $0x80  }
0x11: {  	s16 =	simm.s32 $0x4180;
	s8 =	sadd.s32 $0xCA00, s13;
	s13 =	simm.s32 $0x1  }
.LBB2_1:
0x12: {  	[tilespmem:s2], [sflag:$0x1] =	stream.linear.gather [hbm4b:s6+s2], $0x140, $0x38;
	[tilespmem:$0x14000] =	vst v63  }
0x13: {  	_ =	swait.ge [sflag:s13], $0x140  }
0x14: {  	[sflag:s13] =	ssyncset.done $0x0  }
0x15: {  	[sflag:s13] =	ssyncadd.s32 $0xFFFFFEC0  }
0x16: {  	[tilespmem:s14], [sflag:$0x1] =	stream.linear.gather [hbm4b:s7+s2], $0xA000, $0x38;
	[tilespmem:$0x14000] =	vst v63  }
0x17: {  	_ =	swait.ge [sflag:s13], $0xA000  }
0x18: {  	[sflag:s13] =	ssyncset.done $0x0  }
0x19: {  	[sflag:s13] =	ssyncadd.s32 $0xFFFF6000  }
0x1a: {  	[hbm4b:s4+s15] =	stream.indirect.scatter [tilespmem:s14], [sflag:$0x1], $0x80, s2, s15, $0xb8;
	[tilespmem:$0x14000] =	vst v63  }
0x1b: {  	_ =	swait.ge [sflag:s13], $0x4000  }
0x1c: {  	[sflag:s13] =	ssyncset.done $0x0  }
0x1d: {  	[sflag:s13] =	ssyncadd.s32 $0xFFFFC000  }
0x1e: {  	[hbm4b:s4+s15] =	stream.indirect.scatter [tilespmem:s16], [sflag:$0x1], $0x80, s15, s15, $0xb8;
	[tilespmem:$0x14000] =	vst v63  }
0x1f: {  	_ =	swait.ge [sflag:s13], $0x4000  }
0x20: {  	[sflag:s13] =	ssyncset.done $0x0  }
0x21: {  	[sflag:s13] =	ssyncadd.s32 $0xFFFFC000  }
0x22: {  	[hbm4b:s4+s17] =	stream.indirect.scatter [tilespmem:s19], [sflag:$0x1], $0x80, s18, s17, $0xb8;
	[tilespmem:$0x14000] =	vst v63  }
0x23: {  	_ =	swait.ge [sflag:s13], $0x2000  }
0x24: {  	[sflag:s13] =	ssyncset.done $0x0  }
0x25: {  	[sflag:s13] =	ssyncadd.s32 $0xFFFFE000  }
0x26: {  	[tilespmem:s14], [sflag:$0x1] =	stream.linear.gather [hbm4b:s8+s2], $0xA000, $0x38;
	[tilespmem:$0x14000] =	vst v63  }
0x27: {  	_ =	swait.ge [sflag:s13], $0xA000  }
0x28: {  	[sflag:s13] =	ssyncset.done $0x0  }
0x29: {  	[sflag:s13] =	ssyncadd.s32 $0xFFFF6000  }
0x2a: {  	[hbm4b:s5+s15] =	stream.indirect.scatter [tilespmem:s14], [sflag:$0x1], $0x80, s2, s15, $0xb8;
	[tilespmem:$0x14000] =	vst v63  }
0x2b: {  	_ =	swait.ge [sflag:s13], $0x4000  }
0x2c: {  	[sflag:s13] =	ssyncset.done $0x0  }
0x2d: {  	[sflag:s13] =	ssyncadd.s32 $0xFFFFC000  }
0x2e: {  	[hbm4b:s5+s15] =	stream.indirect.scatter [tilespmem:s16], [sflag:$0x1], $0x80, s15, s15, $0xb8;
	[tilespmem:$0x14000] =	vst v63  }
0x2f: {  	_ =	swait.ge [sflag:s13], $0x4000  }
0x30: {  	[sflag:s13] =	ssyncset.done $0x0  }
0x31: {  	[sflag:s13] =	ssyncadd.s32 $0xFFFFC000  }
0x32: {  	[hbm4b:s5+s17] =	stream.indirect.scatter [tilespmem:s19], [sflag:$0x1], $0x80, s18, s17, $0xb8;
	[tilespmem:$0x14000] =	vst v63  }
0x33: {  	_ =	swait.ge [sflag:s13], $0x2000  }
0x34: {  	[sflag:s13] =	ssyncset.done $0x0  }
0x35: {  	[sflag:s13] =	ssyncadd.s32 $0xFFFFE000  }
0x36: {  	[tilespmem:s20], [sflag:$0x1] =	stream.linear.gather [hbm4b:s3+s2], $0x2800, $0x38;
	[tilespmem:$0x14000] =	vst v63  }
0x37: {  	_ =	swait.ge [sflag:s13], $0x2800  }
0x38: {  	[sflag:s13] =	ssyncset.done $0x0  }
0x39: {  	[sflag:s13] =	ssyncadd.s32 $0xFFFFD800  }
0x3a: {  	[tilespmem:s21], [sflag:$0x1] =	stream.linear.gather [hbm4b:s9+s2], $0x2710, $0x38;
	[tilespmem:$0x14000] =	vst v63  }
0x3b: {  	_ =	swait.ge [sflag:s13], $0x2710  }
0x3c: {  	[sflag:s13] =	ssyncset.done $0x0  }
0x3d: {  	[sflag:s13] =	ssyncadd.s32 $0xFFFFD8F0  }
0x3e: {  	[tilespmem:s22], [sflag:$0x1] =	stream.linear.gather [hbm4b:s10+s2], $0x2710, $0x38;
	[tilespmem:$0x14000] =	vst v63  }
0x3f: {  	_ =	swait.ge [sflag:s13], $0x2710  }
0x40: {  	[sflag:s13] =	ssyncset.done $0x0  }
0x41: {  	s25 =	simm.s32 $0x0;
	[sflag:s13] =	ssyncadd.s32 $0xFFFFD8F0  }
0x42: {  	v0 =	vld [tilespmem:s25+$0xF100]  }
0x43: {  	v1 =	vld [tilespmem:s25+$0xC980];
	_ =	sdelay $0x6  }
0x44: {  	v0 =	vld.idx.msk [tilespmem:v0+s20+$0x0], $0xffff  }
0x45: {  	s26 =	simm.s32 $0x10;
	v2 =	vld.idx.msk [tilespmem:v1+s20+$0x0], $0xffff  }
0x46: {  	s28 =	simm.s32 $0x80;
	v1 =	vld [tilespmem:s26+$0xF100]  }
.LBB2_2:
0x47: {  	p0 =	sne.s32 s28, $0x9C00;
	v3 =	vld [tilespmem:s26+$0xC980];
	_ =	sdelay $0x3  }
0x48: {  	v0 =	vmul.f32 v0, v2  }
.Ltmp0:
0x49: {  	(pc) =	sbr.rel @p0 .LBB2_2-.Ltmp0, $4  }
0x4a: {  	[tilespmem:s25+$0x11880] =	vst v0;
	s25 =	smov.u32 s26  }
0x4b: {  	v0 =	vld.idx.msk [tilespmem:v1+s20+$0x0], $0xffff  }
0x4c: {  	s26 =	sshra.s32 s28, $0x2;
	v2 =	vld.idx.msk [tilespmem:v3+s20+$0x0], $0xffff  }
0x4d: {  	s28 =	sadd.s32 $0x40, s28;
	v1 =	vld [tilespmem:s26+$0xF100]  }
0x4e: {  	_ = 	snop  }
0x4f: {  	v3 =	vld [tilespmem:s26+$0xC980];
	_ =	sdelay $0x3  }
0x50: {  	v0 =	vmul.f32 v0, v2;
	_ =	sdelay $0x1  }
0x51: {  	[tilespmem:s25+$0x11880] =	vst v0  }
0x52: {  	v0 =	vld.idx.msk [tilespmem:v1+s20+$0x0], $0xffff  }
0x53: {  	v63 =	vld.idx.msk [tilespmem:v3+s20+$0x0], $0xffff;
	_ =	sdelay $0x4  }
0x54: {  	s24 =	sadd.s32 $0x1, s24;
	v0 =	vmul.f32 v0, v63  }
0x55: {  	p0 =	sne.s32 s24, s12  }
.Ltmp1:
0x56: {  	[tilespmem:s26+$0x11880] =	vst v0;
	(pc) =	sbr.rel @p0 .LBB2_1-.Ltmp1, $4  }
0x57: {  	[hbm4b:s11+s2] =	stream.linear.scatter [tilespmem:s23], [sflag:$0x1], $0x2710, $0x38;
	[tilespmem:$0x14000] =	vst v63  }
0x58: {  	_ =	swait.ge [sflag:s13], $0x2710  }
0x59: {  	[sflag:s13] =	ssyncset.done $0x0  }
0x5a: {  	[sflag:s13] =	ssyncadd.s32 $0xFFFFD8F0  }
0x5b: {  	_ =	sfence.sel $0x180000  }
0x5c: {  	[bflag:$0x0] =	sbarrier.arrive $0xFFFF  }
0x5d: {  	p0 =	sne.s32 s0, $0x0;
	_ =	strace $0x90000047  }
0x5e: {  	s0 =	sadd.s32 @!p0 $0x100000, s1;
	[bflag:$0x2] =	sbarrier.arrive $0xFFFF  }
0x5f: {  	[sflag:s0] =	ssyncadd.tile.s32 @!p0 $0x1;
	_ =	shalt  }
.Lfunc_end2:
_tile_overlayer_lowered:
.L_overlay_start_2:
0x60: {  	(tag) =	ssettag $0x2  }
0x61: {  	s0 =	rddreg [dreg:$0x0];
	s2 =	stileid.u32  }
0x62: {  	s1 =	rddreg [dreg:$0x1];
	p0 =	sne.s32 s2, $0x0  }
0x63: {  	s3 =	rddreg [dreg:$0x2];
	[bflag:$0x3] =	sbarrier.arrive $0xFFFF;
	s2 =	simm.s32 @!p0 $0x1C01  }
0x64: {  	[timem:s3], [sflag:s2] =	dma.local @!p0 [hbm:s0], s1  }
0x65: {  	s0 =	simm.s32 @!p0 $0x1  }
0x66: {  	_ =	swait.ge @!p0 [sflag:s0], s1  }
0x67: {  	s1 =	ssub.s32 @!p0 $0x0, s1;
	[sflag:s0] =	ssyncset.done @!p0 $0x0  }
0x68: {  	[sflag:s0] =	ssyncadd.s32 @!p0 s1  }
0x69: {  	[bflag:$0x3] =	sbarrier.arrive $0xFFFF  }
0x6a: {  	_ =	shalt  }

</sc_bundles>
